<compile_context>
chip_gen: v7x
topology: tpu7x:2x2x1
jax: 0.10.2.dev20260603
libtpu: 0.0.44.dev20260713+nightly
codegen_flags: <defaults>
</compile_context>

<pallas_src>
import functools

import jax
import jax.numpy as jnp
from jax import lax
from jax.experimental import pallas as pl
from jax.experimental.pallas import tpu as pltpu
from jax.experimental.pallas import tpu_sc as plsc

N = 10000
D = 128
E = 320000

NC = 2
NS = 16
K = 125
NB = 160
ACC_ROWS = 10112
ZK = 64
ZCHUNKS = ACC_ROWS // ZK
CH = 16
OFULL = N // ZK
OTAIL = N - OFULL * ZK

_TC_BLK = 1000


def _prep_body(x_ref, tab_ref):
    g = jnp.maximum(x_ref[...], 0.0) + 1e-07
    eg = jnp.exp(g)
    tab_ref[0] = eg
    tab_ref[1] = eg * g


def _prep(x):
    return pl.pallas_call(
        _prep_body,
        grid=(N // _TC_BLK,),
        in_specs=[pl.BlockSpec((_TC_BLK, D), lambda i: (i, 0))],
        out_specs=pl.BlockSpec((2, _TC_BLK, D), lambda i: (0, i, 0)),
        out_shape=jax.ShapeDtypeStruct((2, N, D), jnp.float32),
    )(x)


def _sc_edge_body(tab_hbm, srcs_hbm, dsts_hbm, zeros_hbm, out_hbm,
                  acc, idxs_v, idxd_v, rows2_v, gsem, ssem, isem, osem):
    c = lax.axis_index("c")
    s = lax.axis_index("s")

    pltpu.async_copy(srcs_hbm.at[c, s, pl.ds(0, CH)], idxs_v.at[0], isem)
    pltpu.async_copy(dsts_hbm.at[s, pl.ds(0, CH)], idxd_v.at[0], isem)

    pltpu.sync_copy(zeros_hbm, rows2_v.at[0, pl.ds(0, ZK)])

    def zbody(k, carry):
        ch = s + k * NS

        @pl.when(ch < ZCHUNKS)
        def _():
            pltpu.sync_copy(rows2_v.at[0, pl.ds(0, ZK)],
                            acc.at[pl.ds(ch * ZK, ZK)])

        return carry

    lax.fori_loop(0, (ZCHUNKS + NS - 1) // NS, zbody, 0)
    pltpu.make_async_copy(srcs_hbm.at[c, s, pl.ds(0, CH)],
                          idxs_v.at[0], isem).wait()
    pltpu.make_async_copy(dsts_hbm.at[s, pl.ds(0, CH)],
                          idxd_v.at[0], isem).wait()
    plsc.subcore_barrier()

    pltpu.async_copy(tab_hbm.at[idxs_v.at[0, 0]], rows2_v.at[0], gsem)

    def body(g, carry):
        par = lax.rem(g, 2)
        sl = lax.rem(lax.div(g, CH), 2)
        jj = lax.rem(g, CH)
        g1 = g + 1
        sl1 = lax.rem(lax.div(g1, CH), 2)
        jj1 = lax.rem(g1, CH)

        @pl.when(g > 0)
        def _():
            gm = g - 1
            pltpu.make_async_copy(
                rows2_v.at[1 - par],
                acc.at[idxd_v.at[lax.rem(lax.div(gm, CH), 2),
                                 lax.rem(gm, CH)]],
                ssem).wait()

        @pl.when(jnp.logical_and(jj == 0, g + CH < NB))
        def _():
            nxt = (lax.div(g, CH) + 1) * CH
            pltpu.async_copy(srcs_hbm.at[c, s, pl.ds(nxt, CH)],
                             idxs_v.at[1 - sl], isem)
            pltpu.async_copy(dsts_hbm.at[s, pl.ds(nxt, CH)],
                             idxd_v.at[1 - sl], isem)

        @pl.when(jnp.logical_and(jj == CH - 1, g1 < NB))
        def _():
            nxt = (lax.div(g, CH) + 1) * CH
            pltpu.make_async_copy(srcs_hbm.at[c, s, pl.ds(nxt, CH)],
                                  idxs_v.at[1 - sl], isem).wait()
            pltpu.make_async_copy(dsts_hbm.at[s, pl.ds(nxt, CH)],
                                  idxd_v.at[1 - sl], isem).wait()

        @pl.when(g1 < NB)
        def _():
            pltpu.async_copy(tab_hbm.at[idxs_v.at[sl1, jj1]],
                             rows2_v.at[1 - par], gsem)

        pltpu.make_async_copy(tab_hbm.at[idxs_v.at[sl, jj]],
                              rows2_v.at[par], gsem).wait()
        pltpu.async_copy(rows2_v.at[par], acc.at[idxd_v.at[sl, jj]], ssem,
                         add=True)
        return carry

    lax.fori_loop(0, NB, body, 0)
    pltpu.make_async_copy(
        rows2_v.at[lax.rem(NB - 1, 2)],
        acc.at[idxd_v.at[lax.rem(lax.div(NB - 1, CH), 2), CH - 1]],
        ssem).wait()
    plsc.subcore_barrier()

    def obody(k, carry):
        ch = s + k * NS

        @pl.when(ch < OFULL)
        def _():
            @pl.when(k > 0)
            def _():
                pltpu.make_async_copy(
                    rows2_v.at[0, pl.ds(0, ZK)],
                    out_hbm.at[c, pl.ds((s + (k - 1) * NS) * ZK, ZK)],
                    osem).wait()

            pltpu.sync_copy(acc.at[pl.ds(ch * ZK, ZK)],
                            rows2_v.at[0, pl.ds(0, ZK)])
            pltpu.async_copy(rows2_v.at[0, pl.ds(0, ZK)],
                             out_hbm.at[c, pl.ds(ch * ZK, ZK)], osem)

        return carry

    lax.fori_loop(0, (OFULL + NS - 1) // NS, obody, 0)
    pltpu.make_async_copy(rows2_v.at[0, pl.ds(0, ZK)],
                          out_hbm.at[c, pl.ds(s * ZK, ZK)], osem).wait()

    @pl.when(s == 0)
    def _():
        pltpu.sync_copy(acc.at[pl.ds(OFULL * ZK, OTAIL)],
                        rows2_v.at[0, pl.ds(0, OTAIL)])
        pltpu.sync_copy(rows2_v.at[0, pl.ds(0, OTAIL)],
                        out_hbm.at[c, pl.ds(OFULL * ZK, OTAIL)])


_sc_edge = functools.partial(
    pl.kernel,
    out_type=jax.ShapeDtypeStruct((2, N, D), jnp.float32),
    mesh=plsc.VectorSubcoreMesh(core_axis_name="c", subcore_axis_name="s"),
    scratch_types=[
        pltpu.VMEM_SHARED((ACC_ROWS, D), jnp.float32),
        pltpu.VMEM((2, CH, K), jnp.int32),
        pltpu.VMEM((2, CH, K), jnp.int32),
        pltpu.VMEM((2, K, D), jnp.float32),
        pltpu.SemaphoreType.DMA,
        pltpu.SemaphoreType.DMA,
        pltpu.SemaphoreType.DMA,
        pltpu.SemaphoreType.DMA,
    ],
)(_sc_edge_body)


def _final_body(acc_ref, x_ref, wt_ref, b_ref, out_ref):
    m = acc_ref[1] / (acc_ref[0] + 1e-16)
    feats = x_ref[...] + m
    out_ref[...] = (
        jnp.dot(feats, wt_ref[...], preferred_element_type=jnp.float32)
        + b_ref[...]
    )


def _final(acc, x, wt, b2):
    return pl.pallas_call(
        _final_body,
        grid=(N // _TC_BLK,),
        in_specs=[
            pl.BlockSpec((2, _TC_BLK, D), lambda i: (0, i, 0)),
            pl.BlockSpec((_TC_BLK, D), lambda i: (i, 0)),
            pl.BlockSpec((D, D), lambda i: (0, 0)),
            pl.BlockSpec((1, D), lambda i: (0, 0)),
        ],
        out_specs=pl.BlockSpec((_TC_BLK, D), lambda i: (i, 0)),
        out_shape=jax.ShapeDtypeStruct((N, D), jnp.float32),
    )(acc, x, wt, b2)


def kernel(x, edge_index, W, b):
    src3 = edge_index[0].reshape(NS, NB, K)
    srcs = jnp.stack([src3, src3 + N])
    dsts = edge_index[1].reshape(NS, NB, K)
    zeros = jnp.zeros((ZK, D), jnp.float32)

    tab = _prep(x).reshape(2 * N, D)
    acc = _sc_edge(tab, srcs, dsts, zeros)
    return _final(acc, x, W.T, b.reshape(1, D))

# --- scband reference (transcript-rebuilt; emitter-appended) ---
"""Pipeline reference for scband-genconv-79697413144781 (READ-ONLY COPY).

The authoritative reference and input builder live on the scoring server;
editing this copy changes nothing except your own understanding.
"""

import jax, jax.numpy as jnp
import numpy as np

N_NODES = 10000
N_EDGES = 320000
D = 128
EPS = 1e-07
BETA = 1.0


def setup_inputs(seed: int = 0) -> dict:
    key = jax.random.key(seed)
    k1, k2, k3 = jax.random.split(key, 3)
    x = jax.random.normal(k1, (N_NODES, D), dtype=jnp.float32)
    edge_index = jax.random.randint(k2, (2, N_EDGES), 0, N_NODES, dtype=jnp.int32)
    # MLP with mlp_layers=1 is a single Linear(in_dim, out_dim)
    W = jax.random.normal(k3, (D, D), dtype=jnp.float32) * (1.0 / np.sqrt(D))
    b = jnp.zeros((D,), dtype=jnp.float32)
    return {"x": x, "edge_index": edge_index, "W": W, "b": b}


def reference(x, edge_index, W, b):
    N = x.shape[0]
    src = edge_index[0]
    dst = edge_index[1]
    # message = source node feature, relu'd + eps (GENConv softmax aggregation)
    msg = jax.nn.relu(jnp.take(x, src, axis=0)) + EPS  # [E, D]
    logits = msg * BETA
    # edge softmax over incoming edges per destination node (per-feature)
    mx = jax.ops.segment_max(logits, dst, num_segments=N)  # [N, D]
    mx = jnp.where(jnp.isfinite(mx), mx, 0.0)
    ex = jnp.exp(logits - jnp.take(mx, dst, axis=0))  # [E, D]
    denom = jax.ops.segment_sum(ex, dst, num_segments=N)  # [N, D]
    alpha = ex / (jnp.take(denom, dst, axis=0) + 1e-16)  # [E, D]
    m = jax.ops.segment_sum(alpha * msg, dst, num_segments=N)  # [N, D]
    feats = x + m
    out = feats @ W.T + b
    return out

if __name__ == "__main__":
    import jax
    _d = setup_inputs()
    print(jax.jit(kernel)(*tuple(_d.values())))

</pallas_src>

<mosaic_0001>
#map = affine_map<(d0, d1) -> (0, 0)>
#map1 = affine_map<(d0, d1) -> (0, 0, 0, 0)>
#map2 = affine_map<(d0, d1) -> (0, 0, 0)>
module attributes {stable_mosaic.version = 14 : i64} {
  func.func @_sc_edge_body(%arg0: i32, %arg1: i32, %arg2: memref<20000x128xf32, #tpu.memory_space<hbm>>, %arg3: memref<2x16x160x125xi32, #tpu.memory_space<hbm>>, %arg4: memref<16x160x125xi32, #tpu.memory_space<hbm>>, %arg5: memref<64x128xf32, #tpu.memory_space<hbm>>, %arg6: memref<2x10000x128xf32, #tpu.memory_space<hbm>>, %arg7: memref<10112x128xf32, #tpu.memory_space<vmem_shared>>, %arg8: memref<2x16x125xi32, #tpu.memory_space<vmem>>, %arg9: memref<2x16x125xi32, #tpu.memory_space<vmem>>, %arg10: memref<2x125x128xf32, #tpu.memory_space<vmem>>, %arg11: memref<!tpu.dma_semaphore, #tpu.memory_space<semaphore_mem>>, %arg12: memref<!tpu.dma_semaphore, #tpu.memory_space<semaphore_mem>>, %arg13: memref<!tpu.dma_semaphore, #tpu.memory_space<semaphore_mem>>, %arg14: memref<!tpu.dma_semaphore, #tpu.memory_space<semaphore_mem>>) attributes {dimension_semantics = [#tpu.dimension_semantics<core_parallel>, #tpu.dimension_semantics<subcore_parallel>], iteration_bounds = array<i64: 2, 16>, scalar_prefetch = 0 : i64, scratch_operands = 8 : i64, tpu.core_type = #tpu.core_type<sc_vector_subcore>, window_params = [{transform_indices = #map}, {transform_indices = #map1}, {transform_indices = #map2}, {transform_indices = #map}, {transform_indices = #map2}]} {
    %dma_start3A = arith.constant 0 : i32
    %dma_start3A_0 = arith.constant 0 : i32
    %dma_start3A_1 = arith.constant 0 : i32
    %dma_start3A_2 = tpu.memref_slice %arg8[%dma_start3A, %dma_start3A_0, %dma_start3A_1] : memref<2x16x125xi32, #tpu.memory_space<vmem>> -> memref<1x16x125xi32, #tpu.memory_space<vmem>>
    %dma_start3A_3 = tpu.memref_squeeze %dma_start3A_2 : memref<1x16x125xi32, #tpu.memory_space<vmem>> -> memref<16x125xi32, #tpu.memory_space<vmem>>
    %dma_start3A_4 = arith.constant 0 : i32
    %dma_start3A_5 = arith.constant 0 : i32
    %dma_start3A_6 = tpu.memref_slice %arg3[%arg0, %arg1, %dma_start3A_4, %dma_start3A_5] : memref<2x16x160x125xi32, #tpu.memory_space<hbm>> -> memref<1x1x16x125xi32, #tpu.memory_space<hbm>>
    %dma_start3A_7 = tpu.memref_squeeze %dma_start3A_6 : memref<1x1x16x125xi32, #tpu.memory_space<hbm>> -> memref<16x125xi32, #tpu.memory_space<hbm>>
    %dma_start3A_8 = arith.constant 0 : i32
    %dma_start3A_9 = arith.constant 0 : i32
    %dma_start3A_10 = tpu.memref_slice %arg8[%dma_start3A, %dma_start3A_8, %dma_start3A_9] : memref<2x16x125xi32, #tpu.memory_space<vmem>> -> memref<1x16x125xi32, #tpu.memory_space<vmem>>
    %dma_start3A_11 = tpu.memref_squeeze %dma_start3A_10 : memref<1x16x125xi32, #tpu.memory_space<vmem>> -> memref<16x125xi32, #tpu.memory_space<vmem>>
    %dma_start3A_12 = arith.constant 0 : i32
    %dma_start3A_13 = arith.constant 0 : i32
    %dma_start3A_14 = tpu.memref_slice %arg3[%arg0, %arg1, %dma_start3A_12, %dma_start3A_13] : memref<2x16x160x125xi32, #tpu.memory_space<hbm>> -> memref<1x1x16x125xi32, #tpu.memory_space<hbm>>
    %dma_start3A_15 = tpu.memref_squeeze %dma_start3A_14 : memref<1x1x16x125xi32, #tpu.memory_space<hbm>> -> memref<16x125xi32, #tpu.memory_space<hbm>>
    tpu.enqueue_dma source(%dma_start3A_15 : memref<16x125xi32, #tpu.memory_space<hbm>>) target(%dma_start3A_11 : memref<16x125xi32, #tpu.memory_space<vmem>>) target_semaphore(%arg13 : memref<!tpu.dma_semaphore, #tpu.memory_space<semaphore_mem>>)
    %dma_start3A_16 = arith.constant 0 : i32
    %dma_start3A_17 = arith.constant 0 : i32
    %dma_start3A_18 = arith.constant 0 : i32
    %dma_start3A_19 = tpu.memref_slice %arg9[%dma_start3A_16, %dma_start3A_17, %dma_start3A_18] : memref<2x16x125xi32, #tpu.memory_space<vmem>> -> memref<1x16x125xi32, #tpu.memory_space<vmem>>
    %dma_start3A_20 = tpu.memref_squeeze %dma_start3A_19 : memref<1x16x125xi32, #tpu.memory_space<vmem>> -> memref<16x125xi32, #tpu.memory_space<vmem>>
    %dma_start3A_21 = arith.constant 0 : i32
    %dma_start3A_22 = arith.constant 0 : i32
    %dma_start3A_23 = tpu.memref_slice %arg4[%arg1, %dma_start3A_21, %dma_start3A_22] : memref<16x160x125xi32, #tpu.memory_space<hbm>> -> memref<1x16x125xi32, #tpu.memory_space<hbm>>
    %dma_start3A_24 = tpu.memref_squeeze %dma_start3A_23 : memref<1x16x125xi32, #tpu.memory_space<hbm>> -> memref<16x125xi32, #tpu.memory_space<hbm>>
    %dma_start3A_25 = arith.constant 0 : i32
    %dma_start3A_26 = arith.constant 0 : i32
    %dma_start3A_27 = tpu.memref_slice %arg9[%dma_start3A_16, %dma_start3A_25, %dma_start3A_26] : memref<2x16x125xi32, #tpu.memory_space<vmem>> -> memref<1x16x125xi32, #tpu.memory_space<vmem>>
    %dma_start3A_28 = tpu.memref_squeeze %dma_start3A_27 : memref<1x16x125xi32, #tpu.memory_space<vmem>> -> memref<16x125xi32, #tpu.memory_space<vmem>>
    %dma_start3A_29 = arith.constant 0 : i32
    %dma_start3A_30 = arith.constant 0 : i32
    %dma_start3A_31 = tpu.memref_slice %arg4[%arg1, %dma_start3A_29, %dma_start3A_30] : memref<16x160x125xi32, #tpu.memory_space<hbm>> -> memref<1x16x125xi32, #tpu.memory_space<hbm>>
    %dma_start3A_32 = tpu.memref_squeeze %dma_start3A_31 : memref<1x16x125xi32, #tpu.memory_space<hbm>> -> memref<16x125xi32, #tpu.memory_space<hbm>>
    tpu.enqueue_dma source(%dma_start3A_32 : memref<16x125xi32, #tpu.memory_space<hbm>>) target(%dma_start3A_28 : memref<16x125xi32, #tpu.memory_space<vmem>>) target_semaphore(%arg13 : memref<!tpu.dma_semaphore, #tpu.memory_space<semaphore_mem>>)
    %run_scoped3A = arith.constant 0 : i32
    "tpu.region"() ({
      %run_scoped3A_132 = tpu.sem_alloc : memref<!tpu.dma_semaphore, #tpu.memory_space<semaphore_mem>>
      %dma_start3A_133 = arith.constant 0 : i32
      %dma_start3A_134 = arith.constant 0 : i32
      %dma_start3A_135 = tpu.memref_slice %arg10[%run_scoped3A, %dma_start3A_133, %dma_start3A_134] : memref<2x125x128xf32, #tpu.memory_space<vmem>> -> memref<1x64x128xf32, #tpu.memory_space<vmem>>
      %dma_start3A_136 = tpu.memref_squeeze %dma_start3A_135 : memref<1x64x128xf32, #tpu.memory_space<vmem>> -> memref<64x128xf32, #tpu.memory_space<vmem>>
      %dma_start3A_137 = arith.constant 0 : i32
      %dma_start3A_138 = arith.constant 0 : i32
      %dma_start3A_139 = tpu.memref_slice %arg10[%run_scoped3A, %dma_start3A_137, %dma_start3A_138] : memref<2x125x128xf32, #tpu.memory_space<vmem>> -> memref<1x64x128xf32, #tpu.memory_space<vmem>>
      %dma_start3A_140 = tpu.memref_squeeze %dma_start3A_139 : memref<1x64x128xf32, #tpu.memory_space<vmem>> -> memref<64x128xf32, #tpu.memory_space<vmem>>
      tpu.enqueue_dma source(%arg5 : memref<64x128xf32, #tpu.memory_space<hbm>>) target(%dma_start3A_140 : memref<64x128xf32, #tpu.memory_space<vmem>>) target_semaphore(%run_scoped3A_132 : memref<!tpu.dma_semaphore, #tpu.memory_space<semaphore_mem>>)
      %dma_wait3A_141 = arith.constant 0 : i32
      %dma_wait3A_142 = arith.constant 0 : i32
      %dma_wait3A_143 = tpu.memref_slice %arg10[%run_scoped3A, %dma_wait3A_141, %dma_wait3A_142] : memref<2x125x128xf32, #tpu.memory_space<vmem>> -> memref<1x64x128xf32, #tpu.memory_space<vmem>>
      %dma_wait3A_144 = tpu.memref_squeeze %dma_wait3A_143 : memref<1x64x128xf32, #tpu.memory_space<vmem>> -> memref<64x128xf32, #tpu.memory_space<vmem>>
      %dma_wait3A_145 = arith.constant 0 : i32
      %dma_wait3A_146 = arith.constant 0 : i32
      %dma_wait3A_147 = tpu.memref_slice %arg10[%run_scoped3A, %dma_wait3A_145, %dma_wait3A_146] : memref<2x125x128xf32, #tpu.memory_space<vmem>> -> memref<1x64x128xf32, #tpu.memory_space<vmem>>
      %dma_wait3A_148 = tpu.memref_squeeze %dma_wait3A_147 : memref<1x64x128xf32, #tpu.memory_space<vmem>> -> memref<64x128xf32, #tpu.memory_space<vmem>>
      tpu.wait_dma2 semaphore(%run_scoped3A_132 : memref<!tpu.dma_semaphore, #tpu.memory_space<semaphore_mem>>) src(%arg5 : memref<64x128xf32, #tpu.memory_space<hbm>>) dst(%dma_wait3A_148 : memref<64x128xf32, #tpu.memory_space<vmem>>)
      tpu.yield
    }) : () -> ()
    %scan3A = arith.constant 0 : i32
    %scan3A_33 = arith.constant 0 : i32
    %scan3A_34 = arith.constant 10 : i32
    %scan3A_35 = arith.addi %scan3A_33, %scan3A_34 : i32
    %scan3A_36 = arith.constant 1 : i32
    scf.for %scan3A_132 = %scan3A_33 to %scan3A_35 step %scan3A_36  : i32 {
      %mul3A_133 = arith.constant 16 : i32
      %mul3A_134 = arith.muli %scan3A_132, %mul3A_133 : i32
      %add3A = arith.addi %arg1, %mul3A_134 : i32
      %lt3A = arith.constant 158 : i32
      %lt3A_135 = arith.cmpi slt, %add3A, %lt3A : i32
      %convert_element_type3A_136 = arith.extui %lt3A_135 : i1 to i32
      %cond3A_137 = arith.constant 0 : i32
      %cond3A_138 = arith.cmpi ne, %convert_element_type3A_136, %cond3A_137 : i32
      scf.if %cond3A_138 {
        %mul3A_139 = arith.constant 64 : i32
        %mul3A_140 = arith.muli %add3A, %mul3A_139 : i32
        %run_scoped3A_141 = arith.constant 0 : i32
        "tpu.region"() ({
          %run_scoped3A_142 = tpu.sem_alloc : memref<!tpu.dma_semaphore, #tpu.memory_space<semaphore_mem>>
          %dma_start3A_143 = arith.constant 0 : i32
          %dma_start3A_144 = arith.constant 0 : i32
          %dma_start3A_145 = tpu.memref_slice %arg10[%run_scoped3A_141, %dma_start3A_143, %dma_start3A_144] : memref<2x125x128xf32, #tpu.memory_space<vmem>> -> memref<1x64x128xf32, #tpu.memory_space<vmem>>
          %dma_start3A_146 = tpu.memref_squeeze %dma_start3A_145 : memref<1x64x128xf32, #tpu.memory_space<vmem>> -> memref<64x128xf32, #tpu.memory_space<vmem>>
          %dma_start3A_147 = arith.constant 0 : i32
          %dma_start3A_148 = tpu.memref_slice %arg7[%mul3A_140, %dma_start3A_147] : memref<10112x128xf32, #tpu.memory_space<vmem_shared>> -> memref<64x128xf32, #tpu.memory_space<vmem_shared>>
          %dma_start3A_149 = arith.constant 0 : i32
          %dma_start3A_150 = tpu.memref_slice %arg7[%mul3A_140, %dma_start3A_149] : memref<10112x128xf32, #tpu.memory_space<vmem_shared>> -> memref<64x128xf32, #tpu.memory_space<vmem_shared>>
          %dma_start3A_151 = arith.constant 0 : i32
          %dma_start3A_152 = arith.constant 0 : i32
          %dma_start3A_153 = tpu.memref_slice %arg10[%run_scoped3A_141, %dma_start3A_151, %dma_start3A_152] : memref<2x125x128xf32, #tpu.memory_space<vmem>> -> memref<1x64x128xf32, #tpu.memory_space<vmem>>
          %dma_start3A_154 = tpu.memref_squeeze %dma_start3A_153 : memref<1x64x128xf32, #tpu.memory_space<vmem>> -> memref<64x128xf32, #tpu.memory_space<vmem>>
          tpu.enqueue_dma source(%dma_start3A_154 : memref<64x128xf32, #tpu.memory_space<vmem>>) target(%dma_start3A_150 : memref<64x128xf32, #tpu.memory_space<vmem_shared>>) target_semaphore(%run_scoped3A_142 : memref<!tpu.dma_semaphore, #tpu.memory_space<semaphore_mem>>)
          %dma_wait3A_155 = arith.constant 0 : i32
          %dma_wait3A_156 = arith.constant 0 : i32
          %dma_wait3A_157 = tpu.memref_slice %arg10[%run_scoped3A_141, %dma_wait3A_155, %dma_wait3A_156] : memref<2x125x128xf32, #tpu.memory_space<vmem>> -> memref<1x64x128xf32, #tpu.memory_space<vmem>>
          %dma_wait3A_158 = tpu.memref_squeeze %dma_wait3A_157 : memref<1x64x128xf32, #tpu.memory_space<vmem>> -> memref<64x128xf32, #tpu.memory_space<vmem>>
          %dma_wait3A_159 = arith.constant 0 : i32
          %dma_wait3A_160 = tpu.memref_slice %arg7[%mul3A_140, %dma_wait3A_159] : memref<10112x128xf32, #tpu.memory_space<vmem_shared>> -> memref<64x128xf32, #tpu.memory_space<vmem_shared>>
          %dma_wait3A_161 = arith.constant 0 : i32
          %dma_wait3A_162 = tpu.memref_slice %arg7[%mul3A_140, %dma_wait3A_161] : memref<10112x128xf32, #tpu.memory_space<vmem_shared>> -> memref<64x128xf32, #tpu.memory_space<vmem_shared>>
          %dma_wait3A_163 = arith.constant 0 : i32
          %dma_wait3A_164 = arith.constant 0 : i32
          %dma_wait3A_165 = tpu.memref_slice %arg10[%run_scoped3A_141, %dma_wait3A_163, %dma_wait3A_164] : memref<2x125x128xf32, #tpu.memory_space<vmem>> -> memref<1x64x128xf32, #tpu.memory_space<vmem>>
          %dma_wait3A_166 = tpu.memref_squeeze %dma_wait3A_165 : memref<1x64x128xf32, #tpu.memory_space<vmem>> -> memref<64x128xf32, #tpu.memory_space<vmem>>
          tpu.wait_dma2 semaphore(%run_scoped3A_142 : memref<!tpu.dma_semaphore, #tpu.memory_space<semaphore_mem>>) src(%dma_wait3A_166 : memref<64x128xf32, #tpu.memory_space<vmem>>) dst(%dma_wait3A_162 : memref<64x128xf32, #tpu.memory_space<vmem_shared>>)
          tpu.yield
        }) : () -> ()
      } else {
      }
    }
    %scan3A_37 = arith.constant 10 : i32
    %dma_wait3A = arith.constant 0 : i32
    %dma_wait3A_38 = arith.constant 0 : i32
    %dma_wait3A_39 = arith.constant 0 : i32
    %dma_wait3A_40 = tpu.memref_slice %arg8[%dma_wait3A, %dma_wait3A_38, %dma_wait3A_39] : memref<2x16x125xi32, #tpu.memory_space<vmem>> -> memref<1x16x125xi32, #tpu.memory_space<vmem>>
    %dma_wait3A_41 = tpu.memref_squeeze %dma_wait3A_40 : memref<1x16x125xi32, #tpu.memory_space<vmem>> -> memref<16x125xi32, #tpu.memory_space<vmem>>
    %dma_wait3A_42 = arith.constant 0 : i32
    %dma_wait3A_43 = arith.constant 0 : i32
    %dma_wait3A_44 = tpu.memref_slice %arg3[%arg0, %arg1, %dma_wait3A_42, %dma_wait3A_43] : memref<2x16x160x125xi32, #tpu.memory_space<hbm>> -> memref<1x1x16x125xi32, #tpu.memory_space<hbm>>
    %dma_wait3A_45 = tpu.memref_squeeze %dma_wait3A_44 : memref<1x1x16x125xi32, #tpu.memory_space<hbm>> -> memref<16x125xi32, #tpu.memory_space<hbm>>
    %dma_wait3A_46 = arith.constant 0 : i32
    %dma_wait3A_47 = arith.constant 0 : i32
    %dma_wait3A_48 = tpu.memref_slice %arg8[%dma_wait3A, %dma_wait3A_46, %dma_wait3A_47] : memref<2x16x125xi32, #tpu.memory_space<vmem>> -> memref<1x16x125xi32, #tpu.memory_space<vmem>>
    %dma_wait3A_49 = tpu.memref_squeeze %dma_wait3A_48 : memref<1x16x125xi32, #tpu.memory_space<vmem>> -> memref<16x125xi32, #tpu.memory_space<vmem>>
    %dma_wait3A_50 = arith.constant 0 : i32
    %dma_wait3A_51 = arith.constant 0 : i32
    %dma_wait3A_52 = tpu.memref_slice %arg3[%arg0, %arg1, %dma_wait3A_50, %dma_wait3A_51] : memref<2x16x160x125xi32, #tpu.memory_space<hbm>> -> memref<1x1x16x125xi32, #tpu.memory_space<hbm>>
    %dma_wait3A_53 = tpu.memref_squeeze %dma_wait3A_52 : memref<1x1x16x125xi32, #tpu.memory_space<hbm>> -> memref<16x125xi32, #tpu.memory_space<hbm>>
    tpu.wait_dma2 semaphore(%arg13 : memref<!tpu.dma_semaphore, #tpu.memory_space<semaphore_mem>>) src(%dma_wait3A_53 : memref<16x125xi32, #tpu.memory_space<hbm>>) dst(%dma_wait3A_49 : memref<16x125xi32, #tpu.memory_space<vmem>>)
    %dma_wait3A_54 = arith.constant 0 : i32
    %dma_wait3A_55 = arith.constant 0 : i32
    %dma_wait3A_56 = arith.constant 0 : i32
    %dma_wait3A_57 = tpu.memref_slice %arg9[%dma_wait3A_54, %dma_wait3A_55, %dma_wait3A_56] : memref<2x16x125xi32, #tpu.memory_space<vmem>> -> memref<1x16x125xi32, #tpu.memory_space<vmem>>
    %dma_wait3A_58 = tpu.memref_squeeze %dma_wait3A_57 : memref<1x16x125xi32, #tpu.memory_space<vmem>> -> memref<16x125xi32, #tpu.memory_space<vmem>>
    %dma_wait3A_59 = arith.constant 0 : i32
    %dma_wait3A_60 = arith.constant 0 : i32
    %dma_wait3A_61 = tpu.memref_slice %arg4[%arg1, %dma_wait3A_59, %dma_wait3A_60] : memref<16x160x125xi32, #tpu.memory_space<hbm>> -> memref<1x16x125xi32, #tpu.memory_space<hbm>>
    %dma_wait3A_62 = tpu.memref_squeeze %dma_wait3A_61 : memref<1x16x125xi32, #tpu.memory_space<hbm>> -> memref<16x125xi32, #tpu.memory_space<hbm>>
    %dma_wait3A_63 = arith.constant 0 : i32
    %dma_wait3A_64 = arith.constant 0 : i32
    %dma_wait3A_65 = tpu.memref_slice %arg9[%dma_wait3A_54, %dma_wait3A_63, %dma_wait3A_64] : memref<2x16x125xi32, #tpu.memory_space<vmem>> -> memref<1x16x125xi32, #tpu.memory_space<vmem>>
    %dma_wait3A_66 = tpu.memref_squeeze %dma_wait3A_65 : memref<1x16x125xi32, #tpu.memory_space<vmem>> -> memref<16x125xi32, #tpu.memory_space<vmem>>
    %dma_wait3A_67 = arith.constant 0 : i32
    %dma_wait3A_68 = arith.constant 0 : i32
    %dma_wait3A_69 = tpu.memref_slice %arg4[%arg1, %dma_wait3A_67, %dma_wait3A_68] : memref<16x160x125xi32, #tpu.memory_space<hbm>> -> memref<1x16x125xi32, #tpu.memory_space<hbm>>
    %dma_wait3A_70 = tpu.memref_squeeze %dma_wait3A_69 : memref<1x16x125xi32, #tpu.memory_space<hbm>> -> memref<16x125xi32, #tpu.memory_space<hbm>>
    tpu.wait_dma2 semaphore(%arg13 : memref<!tpu.dma_semaphore, #tpu.memory_space<semaphore_mem>>) src(%dma_wait3A_70 : memref<16x125xi32, #tpu.memory_space<hbm>>) dst(%dma_wait3A_66 : memref<16x125xi32, #tpu.memory_space<vmem>>)
    %barrier3A = arith.constant 0 : index
    tpu.barrier barrier_id(%barrier3A)
    %dma_start3A_71 = arith.constant 0 : i32
    %dma_start3A_72 = arith.constant 0 : i32
    %dma_start3A_73 = arith.constant 0 : i32
    %dma_start3A_74 = arith.constant 0 : i32
    %dma_start3A_75 = arith.constant 0 : i32
    %dma_start3A_76 = tpu.memref_slice %arg10[%dma_start3A_73, %dma_start3A_74, %dma_start3A_75] : memref<2x125x128xf32, #tpu.memory_space<vmem>> -> memref<1x125x128xf32, #tpu.memory_space<vmem>>
    %dma_start3A_77 = tpu.memref_squeeze %dma_start3A_76 : memref<1x125x128xf32, #tpu.memory_space<vmem>> -> memref<125x128xf32, #tpu.memory_space<vmem>>
    %dma_start3A_78 = arith.constant 0 : i32
    %dma_start3A_79 = tpu.memref_slice %arg8[%dma_start3A_71, %dma_start3A_72, %dma_start3A_78] : memref<2x16x125xi32, #tpu.memory_space<vmem>> -> memref<1x1x125xi32, #tpu.memory_space<vmem>>
    %dma_start3A_80 = tpu.memref_squeeze %dma_start3A_79 : memref<1x1x125xi32, #tpu.memory_space<vmem>> -> memref<125xi32, #tpu.memory_space<vmem>>
    %dma_start3A_81 = arith.constant 0 : i32
    %dma_start3A_82 = arith.constant 0 : i32
    %dma_start3A_83 = tpu.memref_slice %arg2[%dma_start3A_81, %dma_start3A_82] : memref<20000x128xf32, #tpu.memory_space<hbm>> -> memref<20000x128xf32, #tpu.memory_space<hbm>>
    tpu.enqueue_indirect_dma source(%dma_start3A_83 : memref<20000x128xf32, #tpu.memory_space<hbm>>) target(%dma_start3A_77 : memref<125x128xf32, #tpu.memory_space<vmem>>) offsets(%dma_start3A_80 : memref<125xi32, #tpu.memory_space<vmem>>) semaphore(%arg11 : memref<!tpu.dma_semaphore, #tpu.memory_space<semaphore_mem>>)
    %scan3A_84 = arith.constant 0 : i32
    %scan3A_85 = arith.constant 0 : i32
    %scan3A_86 = arith.constant 160 : i32
    %scan3A_87 = arith.addi %scan3A_85, %scan3A_86 : i32
    %scan3A_88 = arith.constant 1 : i32
    scf.for %scan3A_132 = %scan3A_85 to %scan3A_87 step %scan3A_88  : i32 {
      %rem3A_133 = arith.constant 2 : i32
      %rem3A_134 = arith.remsi %scan3A_132, %rem3A_133 : i32
      %div3A_135 = arith.constant 16 : i32
      %div3A_136 = arith.divsi %scan3A_132, %div3A_135 : i32
      %rem3A_137 = arith.constant 2 : i32
      %rem3A_138 = arith.remsi %div3A_136, %rem3A_137 : i32
      %rem3A_139 = arith.constant 16 : i32
      %rem3A_140 = arith.remsi %scan3A_132, %rem3A_139 : i32
      %add3A = arith.constant 1 : i32
      %add3A_141 = arith.addi %scan3A_132, %add3A : i32
      %div3A_142 = arith.constant 16 : i32
      %div3A_143 = arith.divsi %add3A_141, %div3A_142 : i32
      %rem3A_144 = arith.constant 2 : i32
      %rem3A_145 = arith.remsi %div3A_143, %rem3A_144 : i32
      %rem3A_146 = arith.constant 16 : i32
      %rem3A_147 = arith.remsi %add3A_141, %rem3A_146 : i32
      %gt3A = arith.constant 0 : i32
      %gt3A_148 = arith.cmpi sgt, %scan3A_132, %gt3A : i32
      %convert_element_type3A_149 = arith.extui %gt3A_148 : i1 to i32
      %cond3A_150 = arith.constant 0 : i32
      %cond3A_151 = arith.cmpi ne, %convert_element_type3A_149, %cond3A_150 : i32
      scf.if %cond3A_151 {
        %sub3A = arith.constant 1 : i32
        %sub3A_193 = arith.subi %scan3A_132, %sub3A : i32
        %sub3A_194 = arith.constant 1 : i32
        %sub3A_195 = arith.subi %sub3A_194, %rem3A_134 : i32
        %div3A_196 = arith.constant 16 : i32
        %div3A_197 = arith.divsi %sub3A_193, %div3A_196 : i32
        %rem3A_198 = arith.constant 2 : i32
        %rem3A_199 = arith.remsi %div3A_197, %rem3A_198 : i32
        %rem3A_200 = arith.constant 16 : i32
        %rem3A_201 = arith.remsi %sub3A_193, %rem3A_200 : i32
        %dma_wait3A_202 = arith.constant 0 : i32
        %dma_wait3A_203 = arith.constant 0 : i32
        %dma_wait3A_204 = tpu.memref_slice %arg10[%sub3A_195, %dma_wait3A_202, %dma_wait3A_203] : memref<2x125x128xf32, #tpu.memory_space<vmem>> -> memref<1x125x128xf32, #tpu.memory_space<vmem>>
        %dma_wait3A_205 = tpu.memref_squeeze %dma_wait3A_204 : memref<1x125x128xf32, #tpu.memory_space<vmem>> -> memref<125x128xf32, #tpu.memory_space<vmem>>
        %dma_wait3A_206 = arith.constant 0 : i32
        %dma_wait3A_207 = tpu.memref_slice %arg9[%rem3A_199, %rem3A_201, %dma_wait3A_206] : memref<2x16x125xi32, #tpu.memory_space<vmem>> -> memref<1x1x125xi32, #tpu.memory_space<vmem>>
        %dma_wait3A_208 = tpu.memref_squeeze %dma_wait3A_207 : memref<1x1x125xi32, #tpu.memory_space<vmem>> -> memref<125xi32, #tpu.memory_space<vmem>>
        %dma_wait3A_209 = arith.constant 0 : i32
        %dma_wait3A_210 = arith.constant 0 : i32
        %dma_wait3A_211 = tpu.memref_slice %arg7[%dma_wait3A_209, %dma_wait3A_210] : memref<10112x128xf32, #tpu.memory_space<vmem_shared>> -> memref<10112x128xf32, #tpu.memory_space<vmem_shared>>
        tpu.wait_indirect_dma semaphore(%arg12 : memref<!tpu.dma_semaphore, #tpu.memory_space<semaphore_mem>>) src(%dma_wait3A_205 : memref<125x128xf32, #tpu.memory_space<vmem>>) dst(%dma_wait3A_211 : memref<10112x128xf32, #tpu.memory_space<vmem_shared>>)
      } else {
      }
      %eq3A_152 = arith.constant 0 : i32
      %eq3A_153 = arith.cmpi eq, %rem3A_140, %eq3A_152 : i32
      %add3A_154 = arith.constant 16 : i32
      %add3A_155 = arith.addi %scan3A_132, %add3A_154 : i32
      %lt3A = arith.constant 160 : i32
      %lt3A_156 = arith.cmpi slt, %add3A_155, %lt3A : i32
      %and3A = arith.andi %eq3A_153, %lt3A_156 : i1
      %convert_element_type3A_157 = arith.extui %and3A : i1 to i32
      %cond3A_158 = arith.constant 0 : i32
      %cond3A_159 = arith.cmpi ne, %convert_element_type3A_157, %cond3A_158 : i32
      scf.if %cond3A_159 {
        %div3A_193 = arith.constant 16 : i32
        %div3A_194 = arith.divsi %scan3A_132, %div3A_193 : i32
        %add3A_195 = arith.constant 1 : i32
        %add3A_196 = arith.addi %div3A_194, %add3A_195 : i32
        %mul3A_197 = arith.constant 16 : i32
        %mul3A_198 = arith.muli %add3A_196, %mul3A_197 : i32
        %sub3A = arith.constant 1 : i32
        %sub3A_199 = arith.subi %sub3A, %rem3A_138 : i32
        %dma_start3A_200 = arith.constant 0 : i32
        %dma_start3A_201 = arith.constant 0 : i32
        %dma_start3A_202 = tpu.memref_slice %arg8[%sub3A_199, %dma_start3A_200, %dma_start3A_201] : memref<2x16x125xi32, #tpu.memory_space<vmem>> -> memref<1x16x125xi32, #tpu.memory_space<vmem>>
        %dma_start3A_203 = tpu.memref_squeeze %dma_start3A_202 : memref<1x16x125xi32, #tpu.memory_space<vmem>> -> memref<16x125xi32, #tpu.memory_space<vmem>>
        %dma_start3A_204 = arith.constant 0 : i32
        %dma_start3A_205 = tpu.memref_slice %arg3[%arg0, %arg1, %mul3A_198, %dma_start3A_204] : memref<2x16x160x125xi32, #tpu.memory_space<hbm>> -> memref<1x1x16x125xi32, #tpu.memory_space<hbm>>
        %dma_start3A_206 = tpu.memref_squeeze %dma_start3A_205 : memref<1x1x16x125xi32, #tpu.memory_space<hbm>> -> memref<16x125xi32, #tpu.memory_space<hbm>>
        %dma_start3A_207 = arith.constant 0 : i32
        %dma_start3A_208 = arith.constant 0 : i32
        %dma_start3A_209 = tpu.memref_slice %arg8[%sub3A_199, %dma_start3A_207, %dma_start3A_208] : memref<2x16x125xi32, #tpu.memory_space<vmem>> -> memref<1x16x125xi32, #tpu.memory_space<vmem>>
        %dma_start3A_210 = tpu.memref_squeeze %dma_start3A_209 : memref<1x16x125xi32, #tpu.memory_space<vmem>> -> memref<16x125xi32, #tpu.memory_space<vmem>>
        %dma_start3A_211 = arith.constant 0 : i32
        %dma_start3A_212 = tpu.memref_slice %arg3[%arg0, %arg1, %mul3A_198, %dma_start3A_211] : memref<2x16x160x125xi32, #tpu.memory_space<hbm>> -> memref<1x1x16x125xi32, #tpu.memory_space<hbm>>
        %dma_start3A_213 = tpu.memref_squeeze %dma_start3A_212 : memref<1x1x16x125xi32, #tpu.memory_space<hbm>> -> memref<16x125xi32, #tpu.memory_space<hbm>>
        tpu.enqueue_dma source(%dma_start3A_213 : memref<16x125xi32, #tpu.memory_space<hbm>>) target(%dma_start3A_210 : memref<16x125xi32, #tpu.memory_space<vmem>>) target_semaphore(%arg13 : memref<!tpu.dma_semaphore, #tpu.memory_space<semaphore_mem>>)
        %sub3A_214 = arith.constant 1 : i32
        %sub3A_215 = arith.subi %sub3A_214, %rem3A_138 : i32
        %dma_start3A_216 = arith.constant 0 : i32
        %dma_start3A_217 = arith.constant 0 : i32
        %dma_start3A_218 = tpu.memref_slice %arg9[%sub3A_215, %dma_start3A_216, %dma_start3A_217] : memref<2x16x125xi32, #tpu.memory_space<vmem>> -> memref<1x16x125xi32, #tpu.memory_space<vmem>>
        %dma_start3A_219 = tpu.memref_squeeze %dma_start3A_218 : memref<1x16x125xi32, #tpu.memory_space<vmem>> -> memref<16x125xi32, #tpu.memory_space<vmem>>
        %dma_start3A_220 = arith.constant 0 : i32
        %dma_start3A_221 = tpu.memref_slice %arg4[%arg1, %mul3A_198, %dma_start3A_220] : memref<16x160x125xi32, #tpu.memory_space<hbm>> -> memref<1x16x125xi32, #tpu.memory_space<hbm>>
        %dma_start3A_222 = tpu.memref_squeeze %dma_start3A_221 : memref<1x16x125xi32, #tpu.memory_space<hbm>> -> memref<16x125xi32, #tpu.memory_space<hbm>>
        %dma_start3A_223 = arith.constant 0 : i32
        %dma_start3A_224 = arith.constant 0 : i32
        %dma_start3A_225 = tpu.memref_slice %arg9[%sub3A_215, %dma_start3A_223, %dma_start3A_224] : memref<2x16x125xi32, #tpu.memory_space<vmem>> -> memref<1x16x125xi32, #tpu.memory_space<vmem>>
        %dma_start3A_226 = tpu.memref_squeeze %dma_start3A_225 : memref<1x16x125xi32, #tpu.memory_space<vmem>> -> memref<16x125xi32, #tpu.memory_space<vmem>>
        %dma_start3A_227 = arith.constant 0 : i32
        %dma_start3A_228 = tpu.memref_slice %arg4[%arg1, %mul3A_198, %dma_start3A_227] : memref<16x160x125xi32, #tpu.memory_space<hbm>> -> memref<1x16x125xi32, #tpu.memory_space<hbm>>
        %dma_start3A_229 = tpu.memref_squeeze %dma_start3A_228 : memref<1x16x125xi32, #tpu.memory_space<hbm>> -> memref<16x125xi32, #tpu.memory_space<hbm>>
        tpu.enqueue_dma source(%dma_start3A_229 : memref<16x125xi32, #tpu.memory_space<hbm>>) target(%dma_start3A_226 : memref<16x125xi32, #tpu.memory_space<vmem>>) target_semaphore(%arg13 : memref<!tpu.dma_semaphore, #tpu.memory_space<semaphore_mem>>)
      } else {
      }
      %eq3A_160 = arith.constant 15 : i32
      %eq3A_161 = arith.cmpi eq, %rem3A_140, %eq3A_160 : i32
      %lt3A_162 = arith.constant 160 : i32
      %lt3A_163 = arith.cmpi slt, %add3A_141, %lt3A_162 : i32
      %and3A_164 = arith.andi %eq3A_161, %lt3A_163 : i1
      %convert_element_type3A_165 = arith.extui %and3A_164 : i1 to i32
      %cond3A_166 = arith.constant 0 : i32
      %cond3A_167 = arith.cmpi ne, %convert_element_type3A_165, %cond3A_166 : i32
      scf.if %cond3A_167 {
        %div3A_193 = arith.constant 16 : i32
        %div3A_194 = arith.divsi %scan3A_132, %div3A_193 : i32
        %add3A_195 = arith.constant 1 : i32
        %add3A_196 = arith.addi %div3A_194, %add3A_195 : i32
        %mul3A_197 = arith.constant 16 : i32
        %mul3A_198 = arith.muli %add3A_196, %mul3A_197 : i32
        %sub3A = arith.constant 1 : i32
        %sub3A_199 = arith.subi %sub3A, %rem3A_138 : i32
        %dma_wait3A_200 = arith.constant 0 : i32
        %dma_wait3A_201 = arith.constant 0 : i32
        %dma_wait3A_202 = tpu.memref_slice %arg8[%sub3A_199, %dma_wait3A_200, %dma_wait3A_201] : memref<2x16x125xi32, #tpu.memory_space<vmem>> -> memref<1x16x125xi32, #tpu.memory_space<vmem>>
        %dma_wait3A_203 = tpu.memref_squeeze %dma_wait3A_202 : memref<1x16x125xi32, #tpu.memory_space<vmem>> -> memref<16x125xi32, #tpu.memory_space<vmem>>
        %dma_wait3A_204 = arith.constant 0 : i32
        %dma_wait3A_205 = tpu.memref_slice %arg3[%arg0, %arg1, %mul3A_198, %dma_wait3A_204] : memref<2x16x160x125xi32, #tpu.memory_space<hbm>> -> memref<1x1x16x125xi32, #tpu.memory_space<hbm>>
        %dma_wait3A_206 = tpu.memref_squeeze %dma_wait3A_205 : memref<1x1x16x125xi32, #tpu.memory_space<hbm>> -> memref<16x125xi32, #tpu.memory_space<hbm>>
        %dma_wait3A_207 = arith.constant 0 : i32
        %dma_wait3A_208 = arith.constant 0 : i32
        %dma_wait3A_209 = tpu.memref_slice %arg8[%sub3A_199, %dma_wait3A_207, %dma_wait3A_208] : memref<2x16x125xi32, #tpu.memory_space<vmem>> -> memref<1x16x125xi32, #tpu.memory_space<vmem>>
        %dma_wait3A_210 = tpu.memref_squeeze %dma_wait3A_209 : memref<1x16x125xi32, #tpu.memory_space<vmem>> -> memref<16x125xi32, #tpu.memory_space<vmem>>
        %dma_wait3A_211 = arith.constant 0 : i32
        %dma_wait3A_212 = tpu.memref_slice %arg3[%arg0, %arg1, %mul3A_198, %dma_wait3A_211] : memref<2x16x160x125xi32, #tpu.memory_space<hbm>> -> memref<1x1x16x125xi32, #tpu.memory_space<hbm>>
        %dma_wait3A_213 = tpu.memref_squeeze %dma_wait3A_212 : memref<1x1x16x125xi32, #tpu.memory_space<hbm>> -> memref<16x125xi32, #tpu.memory_space<hbm>>
        tpu.wait_dma2 semaphore(%arg13 : memref<!tpu.dma_semaphore, #tpu.memory_space<semaphore_mem>>) src(%dma_wait3A_213 : memref<16x125xi32, #tpu.memory_space<hbm>>) dst(%dma_wait3A_210 : memref<16x125xi32, #tpu.memory_space<vmem>>)
        %sub3A_214 = arith.constant 1 : i32
        %sub3A_215 = arith.subi %sub3A_214, %rem3A_138 : i32
        %dma_wait3A_216 = arith.constant 0 : i32
        %dma_wait3A_217 = arith.constant 0 : i32
        %dma_wait3A_218 = tpu.memref_slice %arg9[%sub3A_215, %dma_wait3A_216, %dma_wait3A_217] : memref<2x16x125xi32, #tpu.memory_space<vmem>> -> memref<1x16x125xi32, #tpu.memory_space<vmem>>
        %dma_wait3A_219 = tpu.memref_squeeze %dma_wait3A_218 : memref<1x16x125xi32, #tpu.memory_space<vmem>> -> memref<16x125xi32, #tpu.memory_space<vmem>>
        %dma_wait3A_220 = arith.constant 0 : i32
        %dma_wait3A_221 = tpu.memref_slice %arg4[%arg1, %mul3A_198, %dma_wait3A_220] : memref<16x160x125xi32, #tpu.memory_space<hbm>> -> memref<1x16x125xi32, #tpu.memory_space<hbm>>
        %dma_wait3A_222 = tpu.memref_squeeze %dma_wait3A_221 : memref<1x16x125xi32, #tpu.memory_space<hbm>> -> memref<16x125xi32, #tpu.memory_space<hbm>>
        %dma_wait3A_223 = arith.constant 0 : i32
        %dma_wait3A_224 = arith.constant 0 : i32
        %dma_wait3A_225 = tpu.memref_slice %arg9[%sub3A_215, %dma_wait3A_223, %dma_wait3A_224] : memref<2x16x125xi32, #tpu.memory_space<vmem>> -> memref<1x16x125xi32, #tpu.memory_space<vmem>>
        %dma_wait3A_226 = tpu.memref_squeeze %dma_wait3A_225 : memref<1x16x125xi32, #tpu.memory_space<vmem>> -> memref<16x125xi32, #tpu.memory_space<vmem>>
        %dma_wait3A_227 = arith.constant 0 : i32
        %dma_wait3A_228 = tpu.memref_slice %arg4[%arg1, %mul3A_198, %dma_wait3A_227] : memref<16x160x125xi32, #tpu.memory_space<hbm>> -> memref<1x16x125xi32, #tpu.memory_space<hbm>>
        %dma_wait3A_229 = tpu.memref_squeeze %dma_wait3A_228 : memref<1x16x125xi32, #tpu.memory_space<hbm>> -> memref<16x125xi32, #tpu.memory_space<hbm>>
        tpu.wait_dma2 semaphore(%arg13 : memref<!tpu.dma_semaphore, #tpu.memory_space<semaphore_mem>>) src(%dma_wait3A_229 : memref<16x125xi32, #tpu.memory_space<hbm>>) dst(%dma_wait3A_226 : memref<16x125xi32, #tpu.memory_space<vmem>>)
      } else {
      }
      %lt3A_168 = arith.constant 160 : i32
      %lt3A_169 = arith.cmpi slt, %add3A_141, %lt3A_168 : i32
      %convert_element_type3A_170 = arith.extui %lt3A_169 : i1 to i32
      %cond3A_171 = arith.constant 0 : i32
      %cond3A_172 = arith.cmpi ne, %convert_element_type3A_170, %cond3A_171 : i32
      scf.if %cond3A_172 {
        %sub3A = arith.constant 1 : i32
        %sub3A_193 = arith.subi %sub3A, %rem3A_134 : i32
        %dma_start3A_194 = arith.constant 0 : i32
        %dma_start3A_195 = arith.constant 0 : i32
        %dma_start3A_196 = tpu.memref_slice %arg10[%sub3A_193, %dma_start3A_194, %dma_start3A_195] : memref<2x125x128xf32, #tpu.memory_space<vmem>> -> memref<1x125x128xf32, #tpu.memory_space<vmem>>
        %dma_start3A_197 = tpu.memref_squeeze %dma_start3A_196 : memref<1x125x128xf32, #tpu.memory_space<vmem>> -> memref<125x128xf32, #tpu.memory_space<vmem>>
        %dma_start3A_198 = arith.constant 0 : i32
        %dma_start3A_199 = tpu.memref_slice %arg8[%rem3A_145, %rem3A_147, %dma_start3A_198] : memref<2x16x125xi32, #tpu.memory_space<vmem>> -> memref<1x1x125xi32, #tpu.memory_space<vmem>>
        %dma_start3A_200 = tpu.memref_squeeze %dma_start3A_199 : memref<1x1x125xi32, #tpu.memory_space<vmem>> -> memref<125xi32, #tpu.memory_space<vmem>>
        %dma_start3A_201 = arith.constant 0 : i32
        %dma_start3A_202 = arith.constant 0 : i32
        %dma_start3A_203 = tpu.memref_slice %arg2[%dma_start3A_201, %dma_start3A_202] : memref<20000x128xf32, #tpu.memory_space<hbm>> -> memref<20000x128xf32, #tpu.memory_space<hbm>>
        tpu.enqueue_indirect_dma source(%dma_start3A_203 : memref<20000x128xf32, #tpu.memory_space<hbm>>) target(%dma_start3A_197 : memref<125x128xf32, #tpu.memory_space<vmem>>) offsets(%dma_start3A_200 : memref<125xi32, #tpu.memory_space<vmem>>) semaphore(%arg11 : memref<!tpu.dma_semaphore, #tpu.memory_space<semaphore_mem>>)
      } else {
      }
      %dma_wait3A_173 = arith.constant 0 : i32
      %dma_wait3A_174 = arith.constant 0 : i32
      %dma_wait3A_175 = tpu.memref_slice %arg10[%rem3A_134, %dma_wait3A_173, %dma_wait3A_174] : memref<2x125x128xf32, #tpu.memory_space<vmem>> -> memref<1x125x128xf32, #tpu.memory_space<vmem>>
      %dma_wait3A_176 = tpu.memref_squeeze %dma_wait3A_175 : memref<1x125x128xf32, #tpu.memory_space<vmem>> -> memref<125x128xf32, #tpu.memory_space<vmem>>
      %dma_wait3A_177 = arith.constant 0 : i32
      %dma_wait3A_178 = tpu.memref_slice %arg8[%rem3A_138, %rem3A_140, %dma_wait3A_177] : memref<2x16x125xi32, #tpu.memory_space<vmem>> -> memref<1x1x125xi32, #tpu.memory_space<vmem>>
      %dma_wait3A_179 = tpu.memref_squeeze %dma_wait3A_178 : memref<1x1x125xi32, #tpu.memory_space<vmem>> -> memref<125xi32, #tpu.memory_space<vmem>>
      %dma_wait3A_180 = arith.constant 0 : i32
      %dma_wait3A_181 = arith.constant 0 : i32
      %dma_wait3A_182 = tpu.memref_slice %arg2[%dma_wait3A_180, %dma_wait3A_181] : memref<20000x128xf32, #tpu.memory_space<hbm>> -> memref<20000x128xf32, #tpu.memory_space<hbm>>
      tpu.wait_indirect_dma semaphore(%arg11 : memref<!tpu.dma_semaphore, #tpu.memory_space<semaphore_mem>>) src(%dma_wait3A_182 : memref<20000x128xf32, #tpu.memory_space<hbm>>) dst(%dma_wait3A_176 : memref<125x128xf32, #tpu.memory_space<vmem>>)
      %dma_start3A_183 = arith.constant 0 : i32
      %dma_start3A_184 = arith.constant 0 : i32
      %dma_start3A_185 = tpu.memref_slice %arg10[%rem3A_134, %dma_start3A_183, %dma_start3A_184] : memref<2x125x128xf32, #tpu.memory_space<vmem>> -> memref<1x125x128xf32, #tpu.memory_space<vmem>>
      %dma_start3A_186 = tpu.memref_squeeze %dma_start3A_185 : memref<1x125x128xf32, #tpu.memory_space<vmem>> -> memref<125x128xf32, #tpu.memory_space<vmem>>
      %dma_start3A_187 = arith.constant 0 : i32
      %dma_start3A_188 = tpu.memref_slice %arg9[%rem3A_138, %rem3A_140, %dma_start3A_187] : memref<2x16x125xi32, #tpu.memory_space<vmem>> -> memref<1x1x125xi32, #tpu.memory_space<vmem>>
      %dma_start3A_189 = tpu.memref_squeeze %dma_start3A_188 : memref<1x1x125xi32, #tpu.memory_space<vmem>> -> memref<125xi32, #tpu.memory_space<vmem>>
      %dma_start3A_190 = arith.constant 0 : i32
      %dma_start3A_191 = arith.constant 0 : i32
      %dma_start3A_192 = tpu.memref_slice %arg7[%dma_start3A_190, %dma_start3A_191] : memref<10112x128xf32, #tpu.memory_space<vmem_shared>> -> memref<10112x128xf32, #tpu.memory_space<vmem_shared>>
      tpu.enqueue_indirect_dma source(%dma_start3A_186 : memref<125x128xf32, #tpu.memory_space<vmem>>) target(%dma_start3A_192 : memref<10112x128xf32, #tpu.memory_space<vmem_shared>>) offsets(%dma_start3A_189 : memref<125xi32, #tpu.memory_space<vmem>>) semaphore(%arg12 : memref<!tpu.dma_semaphore, #tpu.memory_space<semaphore_mem>>) {add = true}
    }
    %scan3A_89 = arith.constant 160 : i32
    %rem3A = arith.constant 159 : i32
    %rem3A_90 = arith.constant 2 : i32
    %rem3A_91 = arith.remsi %rem3A, %rem3A_90 : i32
    %div3A = arith.constant 159 : i32
    %div3A_92 = arith.constant 16 : i32
    %div3A_93 = arith.divsi %div3A, %div3A_92 : i32
    %rem3A_94 = arith.constant 2 : i32
    %rem3A_95 = arith.remsi %div3A_93, %rem3A_94 : i32
    %dma_wait3A_96 = arith.constant 15 : i32
    %dma_wait3A_97 = arith.constant 0 : i32
    %dma_wait3A_98 = arith.constant 0 : i32
    %dma_wait3A_99 = tpu.memref_slice %arg10[%rem3A_91, %dma_wait3A_97, %dma_wait3A_98] : memref<2x125x128xf32, #tpu.memory_space<vmem>> -> memref<1x125x128xf32, #tpu.memory_space<vmem>>
    %dma_wait3A_100 = tpu.memref_squeeze %dma_wait3A_99 : memref<1x125x128xf32, #tpu.memory_space<vmem>> -> memref<125x128xf32, #tpu.memory_space<vmem>>
    %dma_wait3A_101 = arith.constant 0 : i32
    %dma_wait3A_102 = tpu.memref_slice %arg9[%rem3A_95, %dma_wait3A_96, %dma_wait3A_101] : memref<2x16x125xi32, #tpu.memory_space<vmem>> -> memref<1x1x125xi32, #tpu.memory_space<vmem>>
    %dma_wait3A_103 = tpu.memref_squeeze %dma_wait3A_102 : memref<1x1x125xi32, #tpu.memory_space<vmem>> -> memref<125xi32, #tpu.memory_space<vmem>>
    %dma_wait3A_104 = arith.constant 0 : i32
    %dma_wait3A_105 = arith.constant 0 : i32
    %dma_wait3A_106 = tpu.memref_slice %arg7[%dma_wait3A_104, %dma_wait3A_105] : memref<10112x128xf32, #tpu.memory_space<vmem_shared>> -> memref<10112x128xf32, #tpu.memory_space<vmem_shared>>
    tpu.wait_indirect_dma semaphore(%arg12 : memref<!tpu.dma_semaphore, #tpu.memory_space<semaphore_mem>>) src(%dma_wait3A_100 : memref<125x128xf32, #tpu.memory_space<vmem>>) dst(%dma_wait3A_106 : memref<10112x128xf32, #tpu.memory_space<vmem_shared>>)
    %barrier3A_107 = arith.constant 0 : index
    tpu.barrier barrier_id(%barrier3A_107)
    %scan3A_108 = arith.constant 0 : i32
    %scan3A_109 = arith.constant 0 : i32
    %scan3A_110 = arith.constant 10 : i32
    %scan3A_111 = arith.addi %scan3A_109, %scan3A_110 : i32
    %scan3A_112 = arith.constant 1 : i32
    scf.for %scan3A_132 = %scan3A_109 to %scan3A_111 step %scan3A_112  : i32 {
      %mul3A_133 = arith.constant 16 : i32
      %mul3A_134 = arith.muli %scan3A_132, %mul3A_133 : i32
      %add3A = arith.addi %arg1, %mul3A_134 : i32
      %lt3A = arith.constant 156 : i32
      %lt3A_135 = arith.cmpi slt, %add3A, %lt3A : i32
      %convert_element_type3A_136 = arith.extui %lt3A_135 : i1 to i32
      %cond3A_137 = arith.constant 0 : i32
      %cond3A_138 = arith.cmpi ne, %convert_element_type3A_136, %cond3A_137 : i32
      scf.if %cond3A_138 {
        %gt3A = arith.constant 0 : i32
        %gt3A_139 = arith.cmpi sgt, %scan3A_132, %gt3A : i32
        %convert_element_type3A_140 = arith.extui %gt3A_139 : i1 to i32
        %cond3A_141 = arith.constant 0 : i32
        %cond3A_142 = arith.cmpi ne, %convert_element_type3A_140, %cond3A_141 : i32
        scf.if %cond3A_142 {
          %sub3A = arith.constant 1 : i32
          %sub3A_163 = arith.subi %scan3A_132, %sub3A : i32
          %mul3A_164 = arith.constant 16 : i32
          %mul3A_165 = arith.muli %sub3A_163, %mul3A_164 : i32
          %add3A_166 = arith.addi %arg1, %mul3A_165 : i32
          %mul3A_167 = arith.constant 64 : i32
          %mul3A_168 = arith.muli %add3A_166, %mul3A_167 : i32
          %dma_wait3A_169 = arith.constant 0 : i32
          %dma_wait3A_170 = arith.constant 0 : i32
          %dma_wait3A_171 = arith.constant 0 : i32
          %dma_wait3A_172 = tpu.memref_slice %arg10[%dma_wait3A_169, %dma_wait3A_170, %dma_wait3A_171] : memref<2x125x128xf32, #tpu.memory_space<vmem>> -> memref<1x64x128xf32, #tpu.memory_space<vmem>>
          %dma_wait3A_173 = tpu.memref_squeeze %dma_wait3A_172 : memref<1x64x128xf32, #tpu.memory_space<vmem>> -> memref<64x128xf32, #tpu.memory_space<vmem>>
          %dma_wait3A_174 = arith.constant 0 : i32
          %dma_wait3A_175 = tpu.memref_slice %arg6[%arg0, %mul3A_168, %dma_wait3A_174] : memref<2x10000x128xf32, #tpu.memory_space<hbm>> -> memref<1x64x128xf32, #tpu.memory_space<hbm>>
          %dma_wait3A_176 = tpu.memref_squeeze %dma_wait3A_175 : memref<1x64x128xf32, #tpu.memory_space<hbm>> -> memref<64x128xf32, #tpu.memory_space<hbm>>
          %dma_wait3A_177 = arith.constant 0 : i32
          %dma_wait3A_178 = tpu.memref_slice %arg6[%arg0, %mul3A_168, %dma_wait3A_177] : memref<2x10000x128xf32, #tpu.memory_space<hbm>> -> memref<1x64x128xf32, #tpu.memory_space<hbm>>
          %dma_wait3A_179 = tpu.memref_squeeze %dma_wait3A_178 : memref<1x64x128xf32, #tpu.memory_space<hbm>> -> memref<64x128xf32, #tpu.memory_space<hbm>>
          %dma_wait3A_180 = arith.constant 0 : i32
          %dma_wait3A_181 = arith.constant 0 : i32
          %dma_wait3A_182 = tpu.memref_slice %arg10[%dma_wait3A_169, %dma_wait3A_180, %dma_wait3A_181] : memref<2x125x128xf32, #tpu.memory_space<vmem>> -> memref<1x64x128xf32, #tpu.memory_space<vmem>>
          %dma_wait3A_183 = tpu.memref_squeeze %dma_wait3A_182 : memref<1x64x128xf32, #tpu.memory_space<vmem>> -> memref<64x128xf32, #tpu.memory_space<vmem>>
          tpu.wait_dma2 semaphore(%arg14 : memref<!tpu.dma_semaphore, #tpu.memory_space<semaphore_mem>>) src(%dma_wait3A_183 : memref<64x128xf32, #tpu.memory_space<vmem>>) dst(%dma_wait3A_179 : memref<64x128xf32, #tpu.memory_space<hbm>>)
        } else {
        }
        %mul3A_143 = arith.constant 64 : i32
        %mul3A_144 = arith.muli %add3A, %mul3A_143 : i32
        %run_scoped3A_145 = arith.constant 0 : i32
        "tpu.region"() ({
          %run_scoped3A_163 = tpu.sem_alloc : memref<!tpu.dma_semaphore, #tpu.memory_space<semaphore_mem>>
          %dma_start3A_164 = arith.constant 0 : i32
          %dma_start3A_165 = arith.constant 0 : i32
          %dma_start3A_166 = tpu.memref_slice %arg10[%run_scoped3A_145, %dma_start3A_164, %dma_start3A_165] : memref<2x125x128xf32, #tpu.memory_space<vmem>> -> memref<1x64x128xf32, #tpu.memory_space<vmem>>
          %dma_start3A_167 = tpu.memref_squeeze %dma_start3A_166 : memref<1x64x128xf32, #tpu.memory_space<vmem>> -> memref<64x128xf32, #tpu.memory_space<vmem>>
          %dma_start3A_168 = arith.constant 0 : i32
          %dma_start3A_169 = tpu.memref_slice %arg7[%mul3A_144, %dma_start3A_168] : memref<10112x128xf32, #tpu.memory_space<vmem_shared>> -> memref<64x128xf32, #tpu.memory_space<vmem_shared>>
          %dma_start3A_170 = arith.constant 0 : i32
          %dma_start3A_171 = arith.constant 0 : i32
          %dma_start3A_172 = tpu.memref_slice %arg10[%run_scoped3A_145, %dma_start3A_170, %dma_start3A_171] : memref<2x125x128xf32, #tpu.memory_space<vmem>> -> memref<1x64x128xf32, #tpu.memory_space<vmem>>
          %dma_start3A_173 = tpu.memref_squeeze %dma_start3A_172 : memref<1x64x128xf32, #tpu.memory_space<vmem>> -> memref<64x128xf32, #tpu.memory_space<vmem>>
          %dma_start3A_174 = arith.constant 0 : i32
          %dma_start3A_175 = tpu.memref_slice %arg7[%mul3A_144, %dma_start3A_174] : memref<10112x128xf32, #tpu.memory_space<vmem_shared>> -> memref<64x128xf32, #tpu.memory_space<vmem_shared>>
          tpu.enqueue_dma source(%dma_start3A_175 : memref<64x128xf32, #tpu.memory_space<vmem_shared>>) target(%dma_start3A_173 : memref<64x128xf32, #tpu.memory_space<vmem>>) target_semaphore(%run_scoped3A_163 : memref<!tpu.dma_semaphore, #tpu.memory_space<semaphore_mem>>)
          %dma_wait3A_176 = arith.constant 0 : i32
          %dma_wait3A_177 = arith.constant 0 : i32
          %dma_wait3A_178 = tpu.memref_slice %arg10[%run_scoped3A_145, %dma_wait3A_176, %dma_wait3A_177] : memref<2x125x128xf32, #tpu.memory_space<vmem>> -> memref<1x64x128xf32, #tpu.memory_space<vmem>>
          %dma_wait3A_179 = tpu.memref_squeeze %dma_wait3A_178 : memref<1x64x128xf32, #tpu.memory_space<vmem>> -> memref<64x128xf32, #tpu.memory_space<vmem>>
          %dma_wait3A_180 = arith.constant 0 : i32
          %dma_wait3A_181 = tpu.memref_slice %arg7[%mul3A_144, %dma_wait3A_180] : memref<10112x128xf32, #tpu.memory_space<vmem_shared>> -> memref<64x128xf32, #tpu.memory_space<vmem_shared>>
          %dma_wait3A_182 = arith.constant 0 : i32
          %dma_wait3A_183 = arith.constant 0 : i32
          %dma_wait3A_184 = tpu.memref_slice %arg10[%run_scoped3A_145, %dma_wait3A_182, %dma_wait3A_183] : memref<2x125x128xf32, #tpu.memory_space<vmem>> -> memref<1x64x128xf32, #tpu.memory_space<vmem>>
          %dma_wait3A_185 = tpu.memref_squeeze %dma_wait3A_184 : memref<1x64x128xf32, #tpu.memory_space<vmem>> -> memref<64x128xf32, #tpu.memory_space<vmem>>
          %dma_wait3A_186 = arith.constant 0 : i32
          %dma_wait3A_187 = tpu.memref_slice %arg7[%mul3A_144, %dma_wait3A_186] : memref<10112x128xf32, #tpu.memory_space<vmem_shared>> -> memref<64x128xf32, #tpu.memory_space<vmem_shared>>
          tpu.wait_dma2 semaphore(%run_scoped3A_163 : memref<!tpu.dma_semaphore, #tpu.memory_space<semaphore_mem>>) src(%dma_wait3A_187 : memref<64x128xf32, #tpu.memory_space<vmem_shared>>) dst(%dma_wait3A_185 : memref<64x128xf32, #tpu.memory_space<vmem>>)
          tpu.yield
        }) : () -> ()
        %mul3A_146 = arith.constant 64 : i32
        %mul3A_147 = arith.muli %add3A, %mul3A_146 : i32
        %dma_start3A_148 = arith.constant 0 : i32
        %dma_start3A_149 = arith.constant 0 : i32
        %dma_start3A_150 = arith.constant 0 : i32
        %dma_start3A_151 = tpu.memref_slice %arg10[%dma_start3A_148, %dma_start3A_149, %dma_start3A_150] : memref<2x125x128xf32, #tpu.memory_space<vmem>> -> memref<1x64x128xf32, #tpu.memory_space<vmem>>
        %dma_start3A_152 = tpu.memref_squeeze %dma_start3A_151 : memref<1x64x128xf32, #tpu.memory_space<vmem>> -> memref<64x128xf32, #tpu.memory_space<vmem>>
        %dma_start3A_153 = arith.constant 0 : i32
        %dma_start3A_154 = tpu.memref_slice %arg6[%arg0, %mul3A_147, %dma_start3A_153] : memref<2x10000x128xf32, #tpu.memory_space<hbm>> -> memref<1x64x128xf32, #tpu.memory_space<hbm>>
        %dma_start3A_155 = tpu.memref_squeeze %dma_start3A_154 : memref<1x64x128xf32, #tpu.memory_space<hbm>> -> memref<64x128xf32, #tpu.memory_space<hbm>>
        %dma_start3A_156 = arith.constant 0 : i32
        %dma_start3A_157 = tpu.memref_slice %arg6[%arg0, %mul3A_147, %dma_start3A_156] : memref<2x10000x128xf32, #tpu.memory_space<hbm>> -> memref<1x64x128xf32, #tpu.memory_space<hbm>>
        %dma_start3A_158 = tpu.memref_squeeze %dma_start3A_157 : memref<1x64x128xf32, #tpu.memory_space<hbm>> -> memref<64x128xf32, #tpu.memory_space<hbm>>
        %dma_start3A_159 = arith.constant 0 : i32
        %dma_start3A_160 = arith.constant 0 : i32
        %dma_start3A_161 = tpu.memref_slice %arg10[%dma_start3A_148, %dma_start3A_159, %dma_start3A_160] : memref<2x125x128xf32, #tpu.memory_space<vmem>> -> memref<1x64x128xf32, #tpu.memory_space<vmem>>
        %dma_start3A_162 = tpu.memref_squeeze %dma_start3A_161 : memref<1x64x128xf32, #tpu.memory_space<vmem>> -> memref<64x128xf32, #tpu.memory_space<vmem>>
        tpu.enqueue_dma source(%dma_start3A_162 : memref<64x128xf32, #tpu.memory_space<vmem>>) target(%dma_start3A_158 : memref<64x128xf32, #tpu.memory_space<hbm>>) target_semaphore(%arg14 : memref<!tpu.dma_semaphore, #tpu.memory_space<semaphore_mem>>)
      } else {
      }
    }
    %scan3A_113 = arith.constant 10 : i32
    %mul3A = arith.constant 64 : i32
    %mul3A_114 = arith.muli %arg1, %mul3A : i32
    %dma_wait3A_115 = arith.constant 0 : i32
    %dma_wait3A_116 = arith.constant 0 : i32
    %dma_wait3A_117 = arith.constant 0 : i32
    %dma_wait3A_118 = tpu.memref_slice %arg10[%dma_wait3A_115, %dma_wait3A_116, %dma_wait3A_117] : memref<2x125x128xf32, #tpu.memory_space<vmem>> -> memref<1x64x128xf32, #tpu.memory_space<vmem>>
    %dma_wait3A_119 = tpu.memref_squeeze %dma_wait3A_118 : memref<1x64x128xf32, #tpu.memory_space<vmem>> -> memref<64x128xf32, #tpu.memory_space<vmem>>
    %dma_wait3A_120 = arith.constant 0 : i32
    %dma_wait3A_121 = tpu.memref_slice %arg6[%arg0, %mul3A_114, %dma_wait3A_120] : memref<2x10000x128xf32, #tpu.memory_space<hbm>> -> memref<1x64x128xf32, #tpu.memory_space<hbm>>
    %dma_wait3A_122 = tpu.memref_squeeze %dma_wait3A_121 : memref<1x64x128xf32, #tpu.memory_space<hbm>> -> memref<64x128xf32, #tpu.memory_space<hbm>>
    %dma_wait3A_123 = arith.constant 0 : i32
    %dma_wait3A_124 = tpu.memref_slice %arg6[%arg0, %mul3A_114, %dma_wait3A_123] : memref<2x10000x128xf32, #tpu.memory_space<hbm>> -> memref<1x64x128xf32, #tpu.memory_space<hbm>>
    %dma_wait3A_125 = tpu.memref_squeeze %dma_wait3A_124 : memref<1x64x128xf32, #tpu.memory_space<hbm>> -> memref<64x128xf32, #tpu.memory_space<hbm>>
    %dma_wait3A_126 = arith.constant 0 : i32
    %dma_wait3A_127 = arith.constant 0 : i32
    %dma_wait3A_128 = tpu.memref_slice %arg10[%dma_wait3A_115, %dma_wait3A_126, %dma_wait3A_127] : memref<2x125x128xf32, #tpu.memory_space<vmem>> -> memref<1x64x128xf32, #tpu.memory_space<vmem>>
    %dma_wait3A_129 = tpu.memref_squeeze %dma_wait3A_128 : memref<1x64x128xf32, #tpu.memory_space<vmem>> -> memref<64x128xf32, #tpu.memory_space<vmem>>
    tpu.wait_dma2 semaphore(%arg14 : memref<!tpu.dma_semaphore, #tpu.memory_space<semaphore_mem>>) src(%dma_wait3A_129 : memref<64x128xf32, #tpu.memory_space<vmem>>) dst(%dma_wait3A_125 : memref<64x128xf32, #tpu.memory_space<hbm>>)
    %eq3A = arith.constant 0 : i32
    %eq3A_130 = arith.cmpi eq, %arg1, %eq3A : i32
    %convert_element_type3A = arith.extui %eq3A_130 : i1 to i32
    %cond3A = arith.constant 0 : i32
    %cond3A_131 = arith.cmpi ne, %convert_element_type3A, %cond3A : i32
    scf.if %cond3A_131 {
      %run_scoped3A_132 = arith.constant 0 : i32
      "tpu.region"() ({
        %run_scoped3A_134 = tpu.sem_alloc : memref<!tpu.dma_semaphore, #tpu.memory_space<semaphore_mem>>
        %dma_start3A_135 = arith.constant 0 : i32
        %dma_start3A_136 = arith.constant 0 : i32
        %dma_start3A_137 = tpu.memref_slice %arg10[%run_scoped3A_132, %dma_start3A_135, %dma_start3A_136] : memref<2x125x128xf32, #tpu.memory_space<vmem>> -> memref<1x16x128xf32, #tpu.memory_space<vmem>>
        %dma_start3A_138 = tpu.memref_squeeze %dma_start3A_137 : memref<1x16x128xf32, #tpu.memory_space<vmem>> -> memref<16x128xf32, #tpu.memory_space<vmem>>
        %dma_start3A_139 = arith.constant 9984 : i32
        %dma_start3A_140 = arith.constant 0 : i32
        %dma_start3A_141 = tpu.memref_slice %arg7[%dma_start3A_139, %dma_start3A_140] : memref<10112x128xf32, #tpu.memory_space<vmem_shared>> -> memref<16x128xf32, #tpu.memory_space<vmem_shared>>
        %dma_start3A_142 = arith.constant 0 : i32
        %dma_start3A_143 = arith.constant 0 : i32
        %dma_start3A_144 = tpu.memref_slice %arg10[%run_scoped3A_132, %dma_start3A_142, %dma_start3A_143] : memref<2x125x128xf32, #tpu.memory_space<vmem>> -> memref<1x16x128xf32, #tpu.memory_space<vmem>>
        %dma_start3A_145 = tpu.memref_squeeze %dma_start3A_144 : memref<1x16x128xf32, #tpu.memory_space<vmem>> -> memref<16x128xf32, #tpu.memory_space<vmem>>
        %dma_start3A_146 = arith.constant 9984 : i32
        %dma_start3A_147 = arith.constant 0 : i32
        %dma_start3A_148 = tpu.memref_slice %arg7[%dma_start3A_146, %dma_start3A_147] : memref<10112x128xf32, #tpu.memory_space<vmem_shared>> -> memref<16x128xf32, #tpu.memory_space<vmem_shared>>
        tpu.enqueue_dma source(%dma_start3A_148 : memref<16x128xf32, #tpu.memory_space<vmem_shared>>) target(%dma_start3A_145 : memref<16x128xf32, #tpu.memory_space<vmem>>) target_semaphore(%run_scoped3A_134 : memref<!tpu.dma_semaphore, #tpu.memory_space<semaphore_mem>>)
        %dma_wait3A_149 = arith.constant 0 : i32
        %dma_wait3A_150 = arith.constant 0 : i32
        %dma_wait3A_151 = tpu.memref_slice %arg10[%run_scoped3A_132, %dma_wait3A_149, %dma_wait3A_150] : memref<2x125x128xf32, #tpu.memory_space<vmem>> -> memref<1x16x128xf32, #tpu.memory_space<vmem>>
        %dma_wait3A_152 = tpu.memref_squeeze %dma_wait3A_151 : memref<1x16x128xf32, #tpu.memory_space<vmem>> -> memref<16x128xf32, #tpu.memory_space<vmem>>
        %dma_wait3A_153 = arith.constant 9984 : i32
        %dma_wait3A_154 = arith.constant 0 : i32
        %dma_wait3A_155 = tpu.memref_slice %arg7[%dma_wait3A_153, %dma_wait3A_154] : memref<10112x128xf32, #tpu.memory_space<vmem_shared>> -> memref<16x128xf32, #tpu.memory_space<vmem_shared>>
        %dma_wait3A_156 = arith.constant 0 : i32
        %dma_wait3A_157 = arith.constant 0 : i32
        %dma_wait3A_158 = tpu.memref_slice %arg10[%run_scoped3A_132, %dma_wait3A_156, %dma_wait3A_157] : memref<2x125x128xf32, #tpu.memory_space<vmem>> -> memref<1x16x128xf32, #tpu.memory_space<vmem>>
        %dma_wait3A_159 = tpu.memref_squeeze %dma_wait3A_158 : memref<1x16x128xf32, #tpu.memory_space<vmem>> -> memref<16x128xf32, #tpu.memory_space<vmem>>
        %dma_wait3A_160 = arith.constant 9984 : i32
        %dma_wait3A_161 = arith.constant 0 : i32
        %dma_wait3A_162 = tpu.memref_slice %arg7[%dma_wait3A_160, %dma_wait3A_161] : memref<10112x128xf32, #tpu.memory_space<vmem_shared>> -> memref<16x128xf32, #tpu.memory_space<vmem_shared>>
        tpu.wait_dma2 semaphore(%run_scoped3A_134 : memref<!tpu.dma_semaphore, #tpu.memory_space<semaphore_mem>>) src(%dma_wait3A_162 : memref<16x128xf32, #tpu.memory_space<vmem_shared>>) dst(%dma_wait3A_159 : memref<16x128xf32, #tpu.memory_space<vmem>>)
        tpu.yield
      }) : () -> ()
      %run_scoped3A_133 = arith.constant 0 : i32
      "tpu.region"() ({
        %run_scoped3A_134 = tpu.sem_alloc : memref<!tpu.dma_semaphore, #tpu.memory_space<semaphore_mem>>
        %dma_start3A_135 = arith.constant 0 : i32
        %dma_start3A_136 = arith.constant 0 : i32
        %dma_start3A_137 = tpu.memref_slice %arg10[%run_scoped3A_133, %dma_start3A_135, %dma_start3A_136] : memref<2x125x128xf32, #tpu.memory_space<vmem>> -> memref<1x16x128xf32, #tpu.memory_space<vmem>>
        %dma_start3A_138 = tpu.memref_squeeze %dma_start3A_137 : memref<1x16x128xf32, #tpu.memory_space<vmem>> -> memref<16x128xf32, #tpu.memory_space<vmem>>
        %dma_start3A_139 = arith.constant 9984 : i32
        %dma_start3A_140 = arith.constant 0 : i32
        %dma_start3A_141 = tpu.memref_slice %arg6[%arg0, %dma_start3A_139, %dma_start3A_140] : memref<2x10000x128xf32, #tpu.memory_space<hbm>> -> memref<1x16x128xf32, #tpu.memory_space<hbm>>
        %dma_start3A_142 = tpu.memref_squeeze %dma_start3A_141 : memref<1x16x128xf32, #tpu.memory_space<hbm>> -> memref<16x128xf32, #tpu.memory_space<hbm>>
        %dma_start3A_143 = arith.constant 9984 : i32
        %dma_start3A_144 = arith.constant 0 : i32
        %dma_start3A_145 = tpu.memref_slice %arg6[%arg0, %dma_start3A_143, %dma_start3A_144] : memref<2x10000x128xf32, #tpu.memory_space<hbm>> -> memref<1x16x128xf32, #tpu.memory_space<hbm>>
        %dma_start3A_146 = tpu.memref_squeeze %dma_start3A_145 : memref<1x16x128xf32, #tpu.memory_space<hbm>> -> memref<16x128xf32, #tpu.memory_space<hbm>>
        %dma_start3A_147 = arith.constant 0 : i32
        %dma_start3A_148 = arith.constant 0 : i32
        %dma_start3A_149 = tpu.memref_slice %arg10[%run_scoped3A_133, %dma_start3A_147, %dma_start3A_148] : memref<2x125x128xf32, #tpu.memory_space<vmem>> -> memref<1x16x128xf32, #tpu.memory_space<vmem>>
        %dma_start3A_150 = tpu.memref_squeeze %dma_start3A_149 : memref<1x16x128xf32, #tpu.memory_space<vmem>> -> memref<16x128xf32, #tpu.memory_space<vmem>>
        tpu.enqueue_dma source(%dma_start3A_150 : memref<16x128xf32, #tpu.memory_space<vmem>>) target(%dma_start3A_146 : memref<16x128xf32, #tpu.memory_space<hbm>>) target_semaphore(%run_scoped3A_134 : memref<!tpu.dma_semaphore, #tpu.memory_space<semaphore_mem>>)
        %dma_wait3A_151 = arith.constant 0 : i32
        %dma_wait3A_152 = arith.constant 0 : i32
        %dma_wait3A_153 = tpu.memref_slice %arg10[%run_scoped3A_133, %dma_wait3A_151, %dma_wait3A_152] : memref<2x125x128xf32, #tpu.memory_space<vmem>> -> memref<1x16x128xf32, #tpu.memory_space<vmem>>
        %dma_wait3A_154 = tpu.memref_squeeze %dma_wait3A_153 : memref<1x16x128xf32, #tpu.memory_space<vmem>> -> memref<16x128xf32, #tpu.memory_space<vmem>>
        %dma_wait3A_155 = arith.constant 9984 : i32
        %dma_wait3A_156 = arith.constant 0 : i32
        %dma_wait3A_157 = tpu.memref_slice %arg6[%arg0, %dma_wait3A_155, %dma_wait3A_156] : memref<2x10000x128xf32, #tpu.memory_space<hbm>> -> memref<1x16x128xf32, #tpu.memory_space<hbm>>
        %dma_wait3A_158 = tpu.memref_squeeze %dma_wait3A_157 : memref<1x16x128xf32, #tpu.memory_space<hbm>> -> memref<16x128xf32, #tpu.memory_space<hbm>>
        %dma_wait3A_159 = arith.constant 9984 : i32
        %dma_wait3A_160 = arith.constant 0 : i32
        %dma_wait3A_161 = tpu.memref_slice %arg6[%arg0, %dma_wait3A_159, %dma_wait3A_160] : memref<2x10000x128xf32, #tpu.memory_space<hbm>> -> memref<1x16x128xf32, #tpu.memory_space<hbm>>
        %dma_wait3A_162 = tpu.memref_squeeze %dma_wait3A_161 : memref<1x16x128xf32, #tpu.memory_space<hbm>> -> memref<16x128xf32, #tpu.memory_space<hbm>>
        %dma_wait3A_163 = arith.constant 0 : i32
        %dma_wait3A_164 = arith.constant 0 : i32
        %dma_wait3A_165 = tpu.memref_slice %arg10[%run_scoped3A_133, %dma_wait3A_163, %dma_wait3A_164] : memref<2x125x128xf32, #tpu.memory_space<vmem>> -> memref<1x16x128xf32, #tpu.memory_space<vmem>>
        %dma_wait3A_166 = tpu.memref_squeeze %dma_wait3A_165 : memref<1x16x128xf32, #tpu.memory_space<vmem>> -> memref<16x128xf32, #tpu.memory_space<vmem>>
        tpu.wait_dma2 semaphore(%run_scoped3A_134 : memref<!tpu.dma_semaphore, #tpu.memory_space<semaphore_mem>>) src(%dma_wait3A_166 : memref<16x128xf32, #tpu.memory_space<vmem>>) dst(%dma_wait3A_162 : memref<16x128xf32, #tpu.memory_space<hbm>>)
        tpu.yield
      }) : () -> ()
    } else {
    }
    return
  }
}

module attributes {stable_mosaic.version = 14 : i64} {
  func.func @_prep_body(%arg0: i32, %arg1: memref<1000x128xf32, #tpu.memory_space<vmem>>, %arg2: memref<2x1000x128xf32, #tpu.memory_space<vmem>>) attributes {dimension_semantics = [#tpu.dimension_semantics<arbitrary>], iteration_bounds = array<i64: 10>, scalar_prefetch = 0 : i64, scratch_operands = 0 : i64, tpu.core_type = #tpu.core_type<tc>, window_params = [{transform_indices = @transform_0, window_bounds = array<i64: 1000, 128>}, {transform_indices = @transform_1, window_bounds = array<i64: 2, 1000, 128>}]} {
    %get3A = arith.constant 0 : index
    %get3A_0 = arith.constant 0 : index
    %get3A_1 = vector.load %arg1[%get3A, %get3A_0] : memref<1000x128xf32, #tpu.memory_space<vmem>>, vector<1000x128xf32>
    %max3A = arith.constant 0.000000e+00 : f32
    %max3A_2 = vector.broadcast %max3A : f32 to vector<1000x128xf32>
    %max3A_3 = arith.maximumf %get3A_1, %max3A_2 : vector<1000x128xf32>
    %add3A = arith.constant 1.000000e-07 : f32
    %add3A_4 = vector.broadcast %add3A : f32 to vector<1000x128xf32>
    %add3A_5 = arith.addf %max3A_3, %add3A_4 : vector<1000x128xf32>
    %exp3A = math.exp %add3A_5 : vector<1000x128xf32>
    %swap3A = arith.constant 0 : index
    %swap3A_6 = arith.constant 0 : index
    %swap3A_7 = arith.constant 0 : index
    %swap3A_8 = vector.load %arg2[%swap3A, %swap3A_6, %swap3A_7] : memref<2x1000x128xf32, #tpu.memory_space<vmem>>, vector<1x1000x128xf32>
    %swap3A_9 = vector.shape_cast %swap3A_8 : vector<1x1000x128xf32> to vector<1000x128xf32>
    %swap3A_10 = vector.shape_cast %exp3A : vector<1000x128xf32> to vector<1x1000x128xf32>
    tpu.vector_store %arg2[%swap3A, %swap3A_6, %swap3A_7], %swap3A_10 {strides = array<i32>} : memref<2x1000x128xf32, #tpu.memory_space<vmem>>, vector<1x1000x128xf32>,
    %mul3A = arith.mulf %exp3A, %add3A_5 : vector<1000x128xf32>
    %swap3A_11 = arith.constant 1 : index
    %swap3A_12 = arith.constant 0 : index
    %swap3A_13 = arith.constant 0 : index
    %swap3A_14 = vector.load %arg2[%swap3A_11, %swap3A_12, %swap3A_13] : memref<2x1000x128xf32, #tpu.memory_space<vmem>>, vector<1x1000x128xf32>
    %swap3A_15 = vector.shape_cast %swap3A_14 : vector<1x1000x128xf32> to vector<1000x128xf32>
    %swap3A_16 = vector.shape_cast %mul3A : vector<1000x128xf32> to vector<1x1000x128xf32>
    tpu.vector_store %arg2[%swap3A_11, %swap3A_12, %swap3A_13], %swap3A_16 {strides = array<i32>} : memref<2x1000x128xf32, #tpu.memory_space<vmem>>, vector<1x1000x128xf32>,
    return
  }
  func.func @transform_0(%arg0: i32) -> (i32, i32) {
    %c0_i32 = arith.constant 0 : i32
    %c0_i32_0 = arith.constant 0 : i32
    return %arg0, %c0_i32 : i32, i32
  }
  func.func @transform_1(%arg0: i32) -> (i32, i32, i32) {
    %c0_i32 = arith.constant 0 : i32
    %c0_i32_0 = arith.constant 0 : i32
    %c0_i32_1 = arith.constant 0 : i32
    return %c0_i32, %arg0, %c0_i32_0 : i32, i32, i32
  }
}

module attributes {stable_mosaic.version = 14 : i64} {
  func.func @_final_body(%arg0: i32, %arg1: memref<2x1000x128xf32, #tpu.memory_space<vmem>>, %arg2: memref<1000x128xf32, #tpu.memory_space<vmem>>, %arg3: memref<128x128xf32, #tpu.memory_space<vmem>>, %arg4: memref<1x128xf32, #tpu.memory_space<vmem>>, %arg5: memref<1000x128xf32, #tpu.memory_space<vmem>>) attributes {dimension_semantics = [#tpu.dimension_semantics<arbitrary>], iteration_bounds = array<i64: 10>, scalar_prefetch = 0 : i64, scratch_operands = 0 : i64, tpu.core_type = #tpu.core_type<tc>, window_params = [{transform_indices = @transform_0, window_bounds = array<i64: 2, 1000, 128>}, {transform_indices = @transform_1, window_bounds = array<i64: 1000, 128>}, {pipeline_mode = #tpu.pipeline_mode<synchronous>, transform_indices = @transform_2, window_bounds = array<i64: 128, 128>}, {pipeline_mode = #tpu.pipeline_mode<synchronous>, transform_indices = @transform_3, window_bounds = array<i64: 1, 128>}, {transform_indices = @transform_4, window_bounds = array<i64: 1000, 128>}]} {
    %get3A = arith.constant 1 : index
    %get3A_0 = arith.constant 0 : index
    %get3A_1 = arith.constant 0 : index
    %get3A_2 = vector.load %arg1[%get3A, %get3A_0, %get3A_1] : memref<2x1000x128xf32, #tpu.memory_space<vmem>>, vector<1x1000x128xf32>
    %get3A_3 = vector.shape_cast %get3A_2 : vector<1x1000x128xf32> to vector<1000x128xf32>
    %get3A_4 = arith.constant 0 : index
    %get3A_5 = arith.constant 0 : index
    %get3A_6 = arith.constant 0 : index
    %get3A_7 = vector.load %arg1[%get3A_4, %get3A_5, %get3A_6] : memref<2x1000x128xf32, #tpu.memory_space<vmem>>, vector<1x1000x128xf32>
    %get3A_8 = vector.shape_cast %get3A_7 : vector<1x1000x128xf32> to vector<1000x128xf32>
    %add3A = arith.constant 1.000000e-16 : f32
    %add3A_9 = vector.broadcast %add3A : f32 to vector<1000x128xf32>
    %add3A_10 = arith.addf %get3A_8, %add3A_9 : vector<1000x128xf32>
    %div3A = arith.divf %get3A_3, %add3A_10 : vector<1000x128xf32>
    %get3A_11 = arith.constant 0 : index
    %get3A_12 = arith.constant 0 : index
    %get3A_13 = vector.load %arg2[%get3A_11, %get3A_12] : memref<1000x128xf32, #tpu.memory_space<vmem>>, vector<1000x128xf32>
    %add3A_14 = arith.addf %get3A_13, %div3A : vector<1000x128xf32>
    %get3A_15 = arith.constant 0 : index
    %get3A_16 = arith.constant 0 : index
    %get3A_17 = vector.load %arg3[%get3A_15, %get3A_16] : memref<128x128xf32, #tpu.memory_space<vmem>>, vector<128x128xf32>
    %dot_general3A = arith.constant dense<0.000000e+00> : vector<1000x128xf32>
    %dot_general3A_18 = tpu.matmul %add3A_14, %get3A_17, %dot_general3A {dimension_numbers = #tpu.dot_dimension_numbers<[1], [0], [0], [1], [0, 0, 1, 1], [], []>, transpose_lhs_hint = false} : vector<1000x128xf32>, vector<128x128xf32>, vector<1000x128xf32> -> vector<1000x128xf32>
    %get3A_19 = arith.constant 0 : index
    %get3A_20 = arith.constant 0 : index
    %get3A_21 = vector.load %arg4[%get3A_19, %get3A_20] : memref<1x128xf32, #tpu.memory_space<vmem>>, vector<1x128xf32>
    %add3A_22 = vector.broadcast %get3A_21 : vector<1x128xf32> to vector<1000x128xf32>
    %add3A_23 = arith.addf %dot_general3A_18, %add3A_22 : vector<1000x128xf32>
    %swap3A = arith.constant 0 : index
    %swap3A_24 = arith.constant 0 : index
    %swap3A_25 = vector.load %arg5[%swap3A, %swap3A_24] : memref<1000x128xf32, #tpu.memory_space<vmem>>, vector<1000x128xf32>
    tpu.vector_store %arg5[%swap3A, %swap3A_24], %add3A_23 {strides = array<i32>} : memref<1000x128xf32, #tpu.memory_space<vmem>>, vector<1000x128xf32>,
    return
  }
  func.func @transform_0(%arg0: i32) -> (i32, i32, i32) {
    %c0_i32 = arith.constant 0 : i32
    %c0_i32_0 = arith.constant 0 : i32
    %c0_i32_1 = arith.constant 0 : i32
    return %c0_i32, %arg0, %c0_i32_0 : i32, i32, i32
  }
  func.func @transform_1(%arg0: i32) -> (i32, i32) {
    %c0_i32 = arith.constant 0 : i32
    %c0_i32_0 = arith.constant 0 : i32
    return %arg0, %c0_i32 : i32, i32
  }
  func.func @transform_2(%arg0: i32) -> (i32, i32) {
    %c0_i32 = arith.constant 0 : i32
    %c0_i32_0 = arith.constant 0 : i32
    %c0_i32_1 = arith.constant 0 : i32
    return %c0_i32, %c0_i32_0 : i32, i32
  }
  func.func @transform_3(%arg0: i32) -> (i32, i32) {
    %c0_i32 = arith.constant 0 : i32
    %c0_i32_0 = arith.constant 0 : i32
    %c0_i32_1 = arith.constant 0 : i32
    return %c0_i32, %c0_i32_0 : i32, i32
  }
  func.func @transform_4(%arg0: i32) -> (i32, i32) {
    %c0_i32 = arith.constant 0 : i32
    %c0_i32_0 = arith.constant 0 : i32
    return %arg0, %c0_i32 : i32, i32
  }
}

</mosaic_0001>

<sc_bundles>
// kernel: kernel.5.cloned.1.call-start
scs
__scs_entry_jumppad:
0x0: {  	(pc) =	sbr.rel $0x88, $3  }
0x1: {  	(tag) =	ssettag $0x0;
	lr =	simm.s32 $0x1  }
0x2: {  	[smem:$0x3F9D] =	sst lr;
	_ =	strace $0xD0000000  }
0x3: {  	_ = 	snop  }
0x4: {  	_ = 	snop  }
0x5: {  	_ = 	snop  }
0x6: {  	_ = 	snop  }
0x7: {  	_ = 	snop  }
__scs_overlays_trampoline_lowered:
0x8: {  	[smem:$0x3FAC] =	sst s0  }
0x9: {  	[smem:$0x3FAD] =	sst s1  }
0xa: {  	[smem:$0x3FAE] =	sst s2  }
0xb: {  	[smem:$0x3FAF] =	sst s3  }
0xc: {  	[smem:$0x3FB0] =	sst s4  }
0xd: {  	[smem:$0x3FB1] =	sst s5  }
0xe: {  	[smem:$0x3FB2] =	sst s6  }
0xf: {  	[smem:$0x3FB3] =	sst s7  }
0x10: {  	[smem:$0x3FB4] =	sst s8  }
0x11: {  	[smem:$0x3FB5] =	sst s9;
	s0 =	simm.s32 @!p0 $0x0  }
0x12: {  	s1 =	sld [smem:$0x3F9B];
	s0 =	simm.s32 @p0 $0x1  }
0x13: {  	[smem:$0x3FB6] =	sst s0;
	s0 =	simm.s32 @!p1 $0x0  }
0x14: {  	s2 =	sld [smem:$0x3F9A];
	s0 =	simm.s32 @p1 $0x1  }
0x15: {  	[smem:$0x3FB7] =	sst s0;
	s0 =	simm.s32 @!p2 $0x0  }
0x16: {  	s3 =	sld [smem:$0x3FDB];
	s0 =	simm.s32 @p2 $0x1  }
0x17: {  	s4 =	simm.s32 $0x1BF5;
	[smem:$0x3FB9] =	sst s0  }
0x18: {  	s0 =	sld [smem:$0x3F9C];
	_ =	swait.ge [sflag:s4], $0x0  }
0x19: {  	s7 =	sld [smem:$0x3F9D]  }
0x1a: {  	s8 =	sadd.s32 $0xFFFFE003, lr  }
0x1b: {  	s9 =	sadd.s32 $0xFFFFFEF7, lr;
	s5 =	simm.s32 $0xFFFFFFFF;
	p2 =	slt.u32 s8, $0xFFFFF086  }
0x1c: {  	p1 =	slt.u32 s9, $0xF7A;
	s5 =	simm.s32 @!p2 $0x0  }
0x1d: {  	s5 =	simm.s32 @p1 $0x1;
	p0 =	seq.s32 s7, s2  }
0x1e: {  	s7 =	smul.u32 @!p0 $0xF7A, s2;
	p2 =	seq.s32 @!p0 s5, $0x0  }
0x1f: {  	s9 =	smul.u32 $0xF7A, s1;
	s8 =	simm.s32 @!p0 $0x1BF5;
	p2 =	por !p2, p0  }
0x20: {  	[sflag:s8] =	ssyncset.s32 @!p0 $0xFFFFF086;
	s6 =	sadd.s32 @!p0 s3, s7;
	s7 =	simm.s32 @!p0 $0x108  }
0x21: {  	s3 =	sadd.s32 s3, s9;
	s6 =	sadd.s32 @!p0 $0x88, s6;
	s7 =	simm.s32 @p2 $0x1082  }
0x22: {  	[simem:s7], [sflag:s8] =	dma.local @!p0 [hbm:s6], $0xF7A  }
0x23: {  	s9 =	sor.u32 $0xD0000000, s2;
	s6 =	simm.s32 $0x108;
	_ =	swait.ge @!p0 [sflag:s8], $0x0  }
0x24: {  	s3 =	sadd.s32 $0x88, s3;
	s6 =	simm.s32 @!p1 $0x1082;
	[sflag:s4] =	ssyncset.s32 $0xFFFFF086  }
0x25: {  	[simem:s6], [sflag:s4] =	dma.local [hbm:s3], $0xF7A  }
0x26: {  	[smem:$0x3F9D] =	sst s1;
	(tag) =	ssettag s2;
	_ =	strace s9  }
0x27: {  	s1 =	sld [smem:$0x3FAD]  }
0x28: {  	s2 =	sld [smem:$0x3FAE]  }
0x29: {  	s4 =	sld [smem:$0x3FB0]  }
0x2a: {  	p0 =	seq.s32 s5, $0x0;
	s5 =	sld [smem:$0x3FB1]  }
0x2b: {  	s6 =	sld [smem:$0x3FB2]  }
0x2c: {  	s7 =	sld [smem:$0x3FB3]  }
0x2d: {  	s3 =	simm.s32 $0x108;
	s8 =	sld [smem:$0x3FB4]  }
0x2e: {  	s3 =	simm.s32 @!p0 $0x1082;
	s9 =	sld [smem:$0x3FB5]  }
0x2f: {  	lr =	sadd.s32 s0, s3;
	s0 =	sld [smem:$0x3FAC]  }
0x30: {  	s3 =	sld [smem:$0x3FAF]  }
0x31: {  	[smem:$0x3FB8] =	sst s10  }
0x32: {  	s10 =	sld [smem:$0x3FB6];
	_ =	sdelay $0x3  }
0x33: {  	p0 =	seq.s32 s10, $0x1;
	s10 =	sld [smem:$0x3FB8];
	_ =	sdelay $0x3  }
0x34: {  	[smem:$0x3FB8] =	sst s10  }
0x35: {  	s10 =	sld [smem:$0x3FB7];
	_ =	sdelay $0x3  }
0x36: {  	p1 =	seq.s32 s10, $0x1;
	s10 =	sld [smem:$0x3FB8];
	_ =	sdelay $0x3  }
0x37: {  	[smem:$0x3FB8] =	sst s10  }
0x38: {  	s10 =	sld [smem:$0x3FB9]  }
0x39: {  	_ = 	snop;
	(pc) =	sbr.ind lr, $3  }
0x3a: {  	_ = 	snop  }
0x3b: {  	_ = 	snop  }
0x3c: {  	p2 =	seq.s32 s10, $0x1;
	s10 =	sld [smem:$0x3FB8]  }
0x3d: {  	_ =	shalt  }
0x3e: {  	_ =	shalt  }
0x3f: {  	_ =	shalt  }
0x40: {  	_ =	shalt  }
0x41: {  	_ =	shalt  }
0x42: {  	_ =	shalt  }
0x43: {  	_ =	shalt  }
0x44: {  	_ =	shalt  }
0x45: {  	_ =	shalt  }
0x46: {  	_ =	shalt  }
0x47: {  	_ =	shalt  }
0x48: {  	_ =	shalt  }
0x49: {  	_ =	shalt  }
0x4a: {  	_ =	shalt  }
0x4b: {  	_ =	shalt  }
0x4c: {  	_ =	shalt  }
0x4d: {  	_ =	shalt  }
0x4e: {  	_ =	shalt  }
0x4f: {  	_ =	shalt  }
0x50: {  	_ =	shalt  }
0x51: {  	_ =	shalt  }
0x52: {  	_ =	shalt  }
0x53: {  	_ =	shalt  }
0x54: {  	_ =	shalt  }
0x55: {  	_ =	shalt  }
0x56: {  	_ =	shalt  }
0x57: {  	_ =	shalt  }
0x58: {  	_ =	shalt  }
0x59: {  	_ =	shalt  }
0x5a: {  	_ =	shalt  }
0x5b: {  	_ =	shalt  }
0x5c: {  	_ =	shalt  }
0x5d: {  	_ =	shalt  }
0x5e: {  	_ =	shalt  }
0x5f: {  	_ =	shalt  }
0x60: {  	_ =	shalt  }
0x61: {  	_ =	shalt  }
0x62: {  	_ =	shalt  }
0x63: {  	_ =	shalt  }
0x64: {  	_ =	shalt  }
0x65: {  	_ =	shalt  }
0x66: {  	_ =	shalt  }
0x67: {  	_ =	shalt  }
0x68: {  	_ =	shalt  }
0x69: {  	_ =	shalt  }
0x6a: {  	_ =	shalt  }
0x6b: {  	_ =	shalt  }
0x6c: {  	_ =	shalt  }
0x6d: {  	_ =	shalt  }
0x6e: {  	_ =	shalt  }
0x6f: {  	_ =	shalt  }
0x70: {  	_ =	shalt  }
0x71: {  	_ =	shalt  }
0x72: {  	_ =	shalt  }
0x73: {  	_ =	shalt  }
0x74: {  	_ =	shalt  }
0x75: {  	_ =	shalt  }
0x76: {  	_ =	shalt  }
0x77: {  	_ =	shalt  }
0x78: {  	_ =	shalt  }
0x79: {  	_ =	shalt  }
0x7a: {  	_ =	shalt  }
0x7b: {  	_ =	shalt  }
0x7c: {  	_ =	shalt  }
0x7d: {  	_ =	shalt  }
0x7e: {  	_ =	shalt  }
0x7f: {  	_ =	shalt  }
0x80: {  	_ =	shalt  }
0x81: {  	_ =	shalt  }
0x82: {  	_ =	shalt  }
0x83: {  	_ =	shalt  }
0x84: {  	_ =	shalt  }
0x85: {  	_ =	shalt  }
0x86: {  	_ =	shalt  }
0x87: {  	_ =	shalt  }
.Lfunc_end0:
.L_simem_size_0:
called_computation_lowered:
.L_overlay_start_0:
0x88: {  	s2 =	sld [smem:$0x3FD9]  }
0x89: {  	s3 =	sld [smem:$0x3FFE];
	_ =	sdelay $0x1  }
0x8a: {  	s1 =	srdreg.scid  }
0x8b: {  	s0 =	sand.u32 $0x1, s1  }
0x8c: {  	s17 =	sshll.u32 s0, $0xA;
	s2 =	sadd.s32 s3, s2  }
0x8d: {  	s2 =	sadd.s32 s2, s17  }
0x8e: {  	[smem:$0x3FC4] =	sst s2  }
0x8f: {  	_ = 	snop  }
0x90: {  	s2 =	sld [smem:$0x3FD0];
	(tm) =	ssettm $0x1  }
0x91: {  	s18 =	sld [smem:$0x3FFB];
	_ =	sdelay $0x3  }
0x92: {  	_ =	strace s18  }
0x93: {  	s3 =	sld [smem:$0x3FFC];
	_ =	sdelay $0x3  }
0x94: {  	_ =	strace s3  }
0x95: {  	s3 =	sld [smem:$0x3FFD];
	_ =	sdelay $0x3  }
0x96: {  	_ =	strace s3  }
0x97: {  	_ =	strace $0x8FFFFFFF  }
0x98: {  	s19 =	sld [smem:$0x3FDB];
	_ =	sdelay $0x1  }
0x99: {  	s4 =	simm.s32 $_scs_section_size  }
0x9a: {  	s5 =	simm.s32 $_size__tile_overlayer_lowered;
	s6 =	simm.s32 $_tile_overlayer_lowered  }
0x9b: {  	s22 =	simm.s32 $0x1BFF;
	s21 =	sshll.u32 s6, $0x1;
	s3 =	sadd.s32 s4, s19  }
0x9c: {  	s7 =	simm.s32 $0x0;
	s20 =	sshll.u32 s5, $0x1;
	s5 =	sadd.s32 s21, s3  }
0x9d: {  	[timem:s7], [sflag:s22] =	dma.local [hbm:s5], s20  }
0x9e: {  	_ =	swait.ge [sflag:s22], s20  }
0x9f: {  	s4 =	ssub.s32 $0x0, s20;
	[sflag:s22] =	ssyncset.done $0x0  }
0xa0: {  	[sflag:s22] =	ssyncadd.s32 s4;
	_ =	sdelay $0x1  }
0xa1: {  	s23 =	simm.s32 $0x1B8B  }
0xa2: {  	_ =	swait.ge [sflag:s23], $0x1  }
0xa3: {  	[sflag:s23] =	ssyncset.done $0x0  }
0xa4: {  	s25 =	simm.s32 $0x1B8E;
	s24 =	sld [smem:$0x3FFE];
	[sflag:s23] =	ssyncadd.s32 $0xFFFFFFFF  }
0xa5: {  	s26 =	simm.s32 $execute0_lowered;
	[smem:$0x3FD2] =	sst s25  }
0xa6: {  	s5 =	sshll.u32 s26, $0x1;
	_ =	strace $0x80000046;
	[dreg:$0x1] =	wrdreg $0xFFFFFFFF  }
0xa7: {  	s28 =	simm.s32 $_size_execute0_lowered;
	s3 =	sadd.s32 s3, s5;
	[dreg:$0x0] =	wrdreg $0x0  }
0xa8: {  	s5 =	sshll.u32 s28, $0x1;
	[dreg:$0x2] =	wrdreg s3  }
0xa9: {  	[dreg:$0x3] =	wrdreg s5  }
0xaa: {  	[dreg:$0x4] =	wrdreg $0xC0  }
0xab: {  	_ =	task [dreg:s7], $0x5FFFF  }
0xac: {  	[dreg:$0x1] =	wrdreg $0xFFFFFFFF  }
0xad: {  	[dreg:$0x0] =	wrdreg $0x60  }
0xae: {  	[dreg:$0x2] =	wrdreg s24  }
0xaf: {  	[dreg:$0x3] =	wrdreg s2  }
0xb0: {  	[dreg:$0x4] =	wrdreg $0x0  }
0xb1: {  	[dreg:$0x5] =	wrdreg $0x9  }
0xb2: {  	_ =	task.clear_ibuf [dreg:s7], $0x6FFFF;
	_ =	strace $0x90000046  }
0xb3: {  	s29 =	simm.s32 $0x9;
	_ =	strace $0x80000048  }
0xb4: {  	_ =	swait.ge [sflag:s29], $0x1  }
0xb5: {  	[sflag:s29] =	ssyncadd.s32 $0xFFFFFFFF  }
0xb6: {  	_ =	strace $0x90000048  }
0xb7: {  	_ =	sfence  }
0xb8: {  	s30 =	sld [smem:$0x0];
	_ =	sdelay $0x2  }
0xb9: {  	s31 =	sshll.u32 s1, $0xD;
	s1 =	sshrl.u32 s1, $0x2  }
0xba: {  	s3 =	sand.u32 $0x4000, s31;
	s1 =	sadd.s32 s1, s30  }
0xbb: {  	s0 =	sor.u32 s3, s0;
	s1 =	sshll.u32 s1, $0x11  }
0xbc: {  	s0 =	sor.u32 s1, s0  }
0xbd: {  	s0 =	sadd.s32 $0x8F2B, s0  }
0xbe: {  	[sflag:s0] =	ssyncadd.remote.s32 $0x1  }
0xbf: {  	_ =	sfence.sel $0xFFFF  }
0xc0: {  	[dreg:$0x0] =	wrdreg $0xFFFFFFFF;
	(pc) =	sbr.abs _section_cstart, $3  }
0xc1: {  	[dreg:$0x1] =	wrdreg $0xFFFFFFFF  }
0xc2: {  	_ =	task.clear_ibuf [dreg:s7], $0x2FFFF;
	_ =	strace $0x9FFFFFFF  }
0xc3: {  	(tm) =	ssettm $0x7FFFFFFF  }
tec
execute0_lowered:
.L_overlay_start_1:
0x0: {  	(tag) =	ssettag $0x1  }
0x1: {  	s0 =	rddreg [dreg:$0x0]  }
0x2: {  	s1 =	rddreg [dreg:$0x1]  }
0x3: {  	s2 =	rddreg [dreg:$0x2];
	s3 =	simm.s32 $0x0;
	s4 =	srdreg.scid  }
0x4: {  	[smem:$0x7FF] =	sst s3;
	s8 =	sand.u32 $0x1, s4  }
0x5: {  	s4 =	stileid.u32;
	s6 =	sadd.s32 $0xAC00, s0;
	s7 =	sadd.s32 $0xC00, s0  }
0x6: {  	s9 =	sadd.s32 $0x58E00, s0;
	s14 =	sadd.s32 $0x138000, s2;
	s10 =	smul.u32 $0x50000, s8  }
0x7: {  	_ =	strace $0x80000047;
	s5 =	smul.u32 $0x5000, s4;
	[dreg:$0x4] =	wrdreg s9  }
0x8: {  	s9 =	sadd.s32 $0x59200, s0;
	s30 =	ssub.s32 $0x2, s8;
	s8 =	smul.u32 $0x138800, s8  }
0x9: {  	s16 =	sshll.u32 s4, $0xD;
	[dreg:$0x7] =	wrdreg s14;
	s21 =	sor.u32 $0x90, s4  }
0xa: {  	p0 =	sne.s32 s4, $0x0;
	s11 =	sshrl.u32 s30, $0x1;
	s14 =	sadd.s32 s16, s2  }
0xb: {  	s22 =	sshll.u32 s21, $0xD;
	p1 =	sgt.u32 s21, $0x9D;
	s17 =	sadd.s32 $0x40000, s14  }
0xc: {  	s10 =	sadd.s32 s5, s10;
	s18 =	sadd.s32 $0x60000, s14;
	[dreg:$0xa] =	wrdreg s17  }
0xd: {  	s0 =	ssub.s32 s30, s11;
	s19 =	sadd.s32 $0x80000, s14;
	[dreg:$0xb] =	wrdreg s18  }
0xe: {  	s31 =	sshrl.u32 s5, $0x3;
	s20 =	sadd.s32 $0xA0000, s14;
	[dreg:$0xc] =	wrdreg s19  }
0xf: {  	s24 =	sadd.s32 $0x20000, s14;
	s23 =	sadd.s32 $0xC0000, s14;
	[dreg:$0xd] =	wrdreg s20  }
0x10: {  	s25 =	sadd.s32 s22, s2;
	s28 =	sadd.s32 $0xE0000, s14;
	[dreg:$0xe] =	wrdreg s23  }
0x11: {  	s29 =	sadd.s32 $0x100000, s14;
	s12 =	sshrl.u32 s10, $0x3;
	[dreg:$0xf] =	wrdreg s25  }
0x12: {  	s15 =	sadd.s32 s7, s31;
	s0 =	smax.u32 s0, $0x1;
	[dreg:$0x11] =	wrdreg s28  }
0x13: {  	[dreg:$0x12] =	wrdreg s29;
	s18 =	simm.s32 $0x1;
	s19 =	simm.s32 $0x4  }
0x14: {  	s20 =	simm.s32 $0x0;
	s13 =	sadd.s32 s1, s12;
	[dreg:$0x9] =	wrdreg s0  }
0x15: {  	s12 =	sshrl.u32 s8, $0x3;
	s8 =	sadd.s32 s8, s16;
	[dreg:$0x6] =	wrdreg s15  }
0x16: {  	s31 =	sadd.s32 $0x100, s15;
	s15 =	simm.s32 $0x3;
	s16 =	simm.s32 $0x19C00  }
0x17: {  	s11 =	sadd.s32 s9, s12;
	s12 =	sshrl.u32 s8, $0x3;
	[dreg:$0x5] =	wrdreg s13  }
0x18: {  	s25 =	sadd.s32 $0x20000, s8;
	s30 =	sadd.s32 $0x100, s13;
	[dreg:$0x14] =	wrdreg s31  }
0x19: {  	s8 =	simm.s32 $0x15C00;
	s11 =	sadd.s32 $0x27000, s11;
	[dreg:$0x13] =	wrdreg s30  }
0x1a: {  	s13 =	simm.s32 $0x5;
	s26 =	sadd.s32 s9, s12;
	[dreg:$0x8] =	wrdreg s11  }
0x1b: {  	s12 =	simm.s32 $0x2;
	[dreg:$0x10] =	wrdreg s26;
	s11 =	simm.s32 $0x7D  }
.LBB2_1:
0x1c: {  	s0 =	rddreg [dreg:$0x5];
	s21 =	simm.s32 $0x13C00  }
0x1d: {  	[tilespmem:s21], [sflag:$0x3] =	stream.linear.gather [hbm4b:s0+s3], $0x800, $0x38;
	[tilespmem:$0x1DC00] =	vst v63  }
0x1e: {  	s17 =	rddreg [dreg:$0x6];
	s22 =	simm.s32 $0x14C00  }
0x1f: {  	[tilespmem:s22], [sflag:$0x3] =	stream.linear.gather [hbm4b:s17+s3], $0x800, $0x38;
	[tilespmem:$0x1DC00] =	vst v63  }
0x20: {  	s23 =	rddreg [dreg:$0x4]  }
0x21: {  	[tilespmem:s8], [sflag:$0x5] =	stream.linear.gather [hbm4b:s23+s3], $0x2000, $0x38;
	[tilespmem:$0x1DC00] =	vst v63  }
0x22: {  	_ =	swait.ge [sflag:s13], $0x2000  }
0x23: {  	[sflag:s13] =	ssyncset.done $0x0  }
0x24: {  	[sflag:s13] =	ssyncadd.s32 $0xFFFFE000  }
0x25: {  	[spmem:s14] =	stream.linear.scatter [tilespmem:s8], [sflag:$0x5], $0x2000, $0x38;
	[tilespmem:$0x1DC00] =	vst v63  }
0x26: {  	_ =	swait.ge [sflag:s13], $0x2000  }
0x27: {  	[sflag:s13] =	ssyncset.done $0x0  }
0x28: {  	[sflag:s13] =	ssyncadd.s32 $0xFFFFE000  }
0x29: {  	[spmem:s24] =	stream.linear.scatter [tilespmem:s8], [sflag:$0x5], $0x2000, $0x38;
	[tilespmem:$0x1DC00] =	vst v63  }
0x2a: {  	_ =	swait.ge [sflag:s13], $0x2000  }
0x2b: {  	[sflag:s13] =	ssyncset.done $0x0  }
0x2c: {  	s26 =	rddreg [dreg:$0xa];
	[sflag:s13] =	ssyncadd.s32 $0xFFFFE000  }
0x2d: {  	[spmem:s26] =	stream.linear.scatter [tilespmem:s8], [sflag:$0x5], $0x2000, $0x38;
	[tilespmem:$0x1DC00] =	vst v63  }
0x2e: {  	_ =	swait.ge [sflag:s13], $0x2000  }
0x2f: {  	[sflag:s13] =	ssyncset.done $0x0  }
0x30: {  	s28 =	rddreg [dreg:$0xb];
	[sflag:s13] =	ssyncadd.s32 $0xFFFFE000  }
0x31: {  	[spmem:s28] =	stream.linear.scatter [tilespmem:s8], [sflag:$0x5], $0x2000, $0x38;
	[tilespmem:$0x1DC00] =	vst v63  }
0x32: {  	_ =	swait.ge [sflag:s13], $0x2000  }
0x33: {  	[sflag:s13] =	ssyncset.done $0x0  }
0x34: {  	s29 =	rddreg [dreg:$0xc];
	[sflag:s13] =	ssyncadd.s32 $0xFFFFE000  }
0x35: {  	[spmem:s29] =	stream.linear.scatter [tilespmem:s8], [sflag:$0x5], $0x2000, $0x38;
	[tilespmem:$0x1DC00] =	vst v63  }
0x36: {  	_ =	swait.ge [sflag:s13], $0x2000  }
0x37: {  	[sflag:s13] =	ssyncset.done $0x0  }
0x38: {  	s30 =	rddreg [dreg:$0xd];
	[sflag:s13] =	ssyncadd.s32 $0xFFFFE000  }
0x39: {  	[spmem:s30] =	stream.linear.scatter [tilespmem:s8], [sflag:$0x5], $0x2000, $0x38;
	[tilespmem:$0x1DC00] =	vst v63  }
0x3a: {  	_ =	swait.ge [sflag:s13], $0x2000  }
0x3b: {  	[sflag:s13] =	ssyncset.done $0x0  }
0x3c: {  	s31 =	rddreg [dreg:$0xe];
	[sflag:s13] =	ssyncadd.s32 $0xFFFFE000  }
0x3d: {  	[spmem:s31] =	stream.linear.scatter [tilespmem:s8], [sflag:$0x5], $0x2000, $0x38;
	[tilespmem:$0x1DC00] =	vst v63  }
0x3e: {  	_ =	swait.ge [sflag:s13], $0x2000  }
0x3f: {  	[sflag:s13] =	ssyncset.done $0x0  }
0x40: {  	s17 =	rddreg [dreg:$0x11];
	[sflag:s13] =	ssyncadd.s32 $0xFFFFE000  }
0x41: {  	[spmem:s17] =	stream.linear.scatter [tilespmem:s8], [sflag:$0x5], $0x2000, $0x38;
	[tilespmem:$0x1DC00] =	vst v63  }
0x42: {  	_ =	swait.ge [sflag:s13], $0x2000  }
0x43: {  	[sflag:s13] =	ssyncset.done $0x0  }
0x44: {  	s23 =	rddreg [dreg:$0x12];
	[sflag:s13] =	ssyncadd.s32 $0xFFFFE000  }
0x45: {  	[spmem:s23] =	stream.linear.scatter [tilespmem:s8], [sflag:$0x5], $0x2000, $0x38;
	[tilespmem:$0x1DC00] =	vst v63  }
0x46: {  	_ =	swait.ge [sflag:s13], $0x2000  }
0x47: {  	[sflag:s13] =	ssyncset.done $0x0  }
0x48: {  	s0 =	simm.s32 @!p1 $0x15C00;
	s17 =	rddreg [dreg:$0xf];
	[sflag:s13] =	ssyncadd.s32 $0xFFFFE000  }
0x49: {  	[spmem:s17] =	stream.linear.scatter @!p1 [tilespmem:s0], [sflag:$0x5], $0x2000, $0x38;
	[tilespmem:$0x1DC00] =	vst v63  }
0x4a: {  	s0 =	simm.s32 @!p1 $0x5  }
0x4b: {  	_ =	swait.ge @!p1 [sflag:s0], $0x2000  }
0x4c: {  	[sflag:s0] =	ssyncset.done @!p1 $0x0  }
0x4d: {  	[sflag:s0] =	ssyncadd.s32 @!p1 $0xFFFFE000  }
0x4e: {  	_ =	swait.ge [sflag:s15], $0x800  }
0x4f: {  	[sflag:s15] =	ssyncset.done $0x0  }
0x50: {  	[sflag:s15] =	ssyncadd.s32 $0xFFFFF800  }
0x51: {  	_ =	swait.ge [sflag:s15], $0x800  }
0x52: {  	[sflag:s15] =	ssyncset.done $0x0  }
0x53: {  	[sflag:s15] =	ssyncadd.s32 $0xFFFFF800  }
0x54: {  	[bflag:$0x0] =	sbarrier.arrive $0xFFFF  }
0x55: {  	[tilespmem:s8], [sflag:$0x1] =	stream.indirect.gather [hbm4b:s6+s11], $0x80, s21, s11, $0xb8;
	[tilespmem:$0x1DC00] =	vst v63  }
0x56: {  	s28 =	simm.s32 $0x14400;
	s26 =	rddreg [dreg:$0x13]  }
0x57: {  	[tilespmem:s28], [sflag:$0x3] =	stream.linear.gather [hbm4b:s26+s3], $0x800, $0x38;
	[tilespmem:$0x1DC00] =	vst v63  }
0x58: {  	s30 =	simm.s32 $0x15400;
	s29 =	rddreg [dreg:$0x14]  }
0x59: {  	[tilespmem:s30], [sflag:$0x3] =	stream.linear.gather [hbm4b:s29+s3], $0x800, $0x38;
	[tilespmem:$0x1DC00] =	vst v63  }
0x5a: {  	s31 =	simm.s32 $0x13C80  }
0x5b: {  	[tilespmem:s16], [sflag:$0x1] =	stream.indirect.gather [hbm4b:s6+s11], $0x80, s31, s11, $0xb8;
	[tilespmem:$0x1DC00] =	vst v63  }
.Ltmp0:
0x5c: {  	_ =	swait.ge [sflag:s18], $0x3E80;
	(pc) =	sbr.rel .LBB2_2-.Ltmp0, $4  }
0x5d: {  	[sflag:s18] =	ssyncset.done $0x0  }
0x5e: {  	[sflag:s18] =	ssyncadd.s32 $0xFFFFC180  }
0x5f: {  	[spmem:s2] =	stream.indirect.scatter.add.f32 [tilespmem:s8], [sflag:$0x2], $0x80, s22, s11, $0xb8;
	[tilespmem:$0x1DC00] =	vst v63  }
0x60: {  	s21 =	simm.s32 $0x400;
	s22 =	simm.s32 $0x1  }
.LBB2_4:
0x61: {  	p2 =	sne.s32 s23, $0xF  }
0x62: {  	s0 =	simm.s32 @!p2 $0x3  }
0x63: {  	_ =	swait.ge @!p2 [sflag:s0], $0x800  }
0x64: {  	[sflag:s0] =	ssyncset.done @!p2 $0x0  }
0x65: {  	[sflag:s0] =	ssyncadd.s32 @!p2 $0xFFFFF800  }
0x66: {  	_ =	swait.ge @!p2 [sflag:s0], $0x800  }
0x67: {  	[sflag:s0] =	ssyncset.done @!p2 $0x0  }
0x68: {  	[sflag:s0] =	ssyncadd.s32 @!p2 $0xFFFFF800  }
.LBB2_5:
0x69: {  	s0 =	sand.u32 $0x1, s22;
	s26 =	sand.u32 $0x3E00, s21  }
0x6a: {  	s22 =	sadd.s32 $0x1, s22;
	s0 =	sshll.u32 s0, $0xE;
	s26 =	sshrl.u32 s26, $0x2  }
0x6b: {  	p2 =	sne.s32 s22, $0x9F;
	s28 =	ssub.s32 $0x19C00, s0;
	s26 =	sadd.s32 $0x13C00, s26  }
0x6c: {  	[tilespmem:s28], [sflag:$0x1] =	stream.indirect.gather [hbm4b:s6+s11], $0x80, s26, s11, $0xb8;
	[tilespmem:$0x1DC00] =	vst v63  }
.Ltmp1:
0x6d: {  	_ = 	snop;
	(pc) =	sbr.rel @!p2 .LBB2_6-.Ltmp1, $4  }
0x6e: {  	s23 =	sshll.u32 s23, $0x7;
	_ =	swait.ge [sflag:s18], $0x3E80  }
0x6f: {  	s21 =	sadd.s32 $0x200, s21;
	s17 =	sor.u32 s23, s17;
	[sflag:s18] =	ssyncset.done $0x0  }
0x70: {  	s0 =	sadd.s32 $0x15C00, s0;
	s17 =	sadd.s32 $0x14C00, s17;
	[sflag:s18] =	ssyncadd.s32 $0xFFFFC180  }
0x71: {  	[spmem:s2] =	stream.indirect.scatter.add.f32 [tilespmem:s0], [sflag:$0x2], $0x80, s17, s11, $0xb8;
	[tilespmem:$0x1DC00] =	vst v63  }
.LBB2_2:
0x72: {  	s23 =	sand.u32 $0xF, s22;
	p2 =	sgt.u32 s22, $0x8F  }
0x73: {  	p3 =	sne.s32 @!p2 s23, $0x0  }
0x74: {  	p2 =	por p2, p3  }
.Ltmp2:
0x75: {  	_ = 	snop;
	(pc) =	sbr.rel @p2 .LBB2_4-.Ltmp2, $4  }
0x76: {  	_ = 	snop  }
0x77: {  	s0 =	sshrl.u32 s22, $0x4;
	_ =	swait.ge [sflag:s12], $0x3E80  }
0x78: {  	s17 =	sand.u32 $0x1, s0;
	[sflag:s12] =	ssyncset.done $0x0  }
0x79: {  	[sflag:s12] =	ssyncadd.s32 $0xFFFFC180;
	s17 =	sshll.u32 s17, $0xB  }
0x7a: {  	s0 =	sshll.u32 s0, $0xB  }
0x7b: {  	s0 =	sadd.s32 $0x800, s0  }
0x7c: {  	s26 =	sadd.s32 s10, s0  }
.Ltmp3:
0x7d: {  	s0 =	sadd.s32 s5, s0;
	s26 =	sshrl.u32 s26, $0x3;
	(pc) =	sbr.rel .LBB2_5-.Ltmp3, $4  }
0x7e: {  	s28 =	ssub.s32 $0x14400, s17;
	s0 =	sshrl.u32 s0, $0x3;
	s26 =	sadd.s32 s1, s26  }
0x7f: {  	[tilespmem:s28], [sflag:$0x3] =	stream.linear.gather [hbm4b:s26+s3], $0x800, $0x38;
	[tilespmem:$0x1DC00] =	vst v63  }
0x80: {  	s31 =	ssub.s32 $0x15400, s17;
	s0 =	sadd.s32 s7, s0  }
0x81: {  	[tilespmem:s31], [sflag:$0x3] =	stream.linear.gather [hbm4b:s0+s3], $0x800, $0x38;
	[tilespmem:$0x1DC00] =	vst v63  }
.LBB2_6:
0x82: {  	_ =	swait.ge [sflag:s12], $0x3E80  }
0x83: {  	[sflag:s12] =	ssyncset.done $0x0  }
0x84: {  	[sflag:s12] =	ssyncadd.s32 $0xFFFFC180  }
0x85: {  	_ =	swait.ge [sflag:s18], $0x3E80  }
0x86: {  	[sflag:s18] =	ssyncset.done $0x0  }
0x87: {  	s0 =	simm.s32 $0x15B80;
	[sflag:s18] =	ssyncadd.s32 $0xFFFFC180  }
0x88: {  	[spmem:s2] =	stream.indirect.scatter.add.f32 [tilespmem:s16], [sflag:$0x2], $0x80, s0, s11, $0xb8;
	[tilespmem:$0x1DC00] =	vst v63  }
0x89: {  	_ =	swait.ge [sflag:s12], $0x3E80  }
0x8a: {  	[sflag:s12] =	ssyncset.done $0x0  }
0x8b: {  	[sflag:s12] =	ssyncadd.s32 $0xFFFFC180  }
0x8c: {  	[bflag:$0x0] =	sbarrier.arrive $0xFFFF  }
0x8d: {  	[tilespmem:s8], [sflag:$0x5] =	stream.linear.gather [spmem:s14], $0x2000, $0x38;
	[tilespmem:$0x1DC00] =	vst v63  }
0x8e: {  	s30 =	sadd.s32 $0x10, s4;
	_ =	swait.ge [sflag:s13], $0x2000  }
0x8f: {  	p2 =	sgt.u32 s30, $0x9B;
	[sflag:s13] =	ssyncset.done $0x0  }
0x90: {  	s0 =	simm.s32 @!p2 $0x4;
	s29 =	rddreg [dreg:$0x10];
	[sflag:s13] =	ssyncadd.s32 $0xFFFFE000  }
0x91: {  	[hbm4b:s29+s3] =	stream.linear.scatter [tilespmem:s8], [sflag:$0x4], $0x2000, $0x38;
	[tilespmem:$0x1DC00] =	vst v63  }
0x92: {  	s23 =	simm.s32 $0x30;
	s28 =	sadd.s32 $0x20, s4;
	_ =	swait.ge @!p2 [sflag:s0], $0x2000  }
0x93: {  	s17 =	sshrl.u32 @!p2 s25, $0x3;
	s26 =	simm.s32 @!p2 $0x15C00;
	[sflag:s0] =	ssyncset.done @!p2 $0x0  }
0x94: {  	s31 =	simm.s32 @!p2 $0x0;
	[sflag:s0] =	ssyncadd.s32 @!p2 $0xFFFFE000;
	s0 =	simm.s32 @!p2 $0x5  }
0x95: {  	[tilespmem:s26], [sflag:$0x5] =	stream.linear.gather @!p2 [spmem:s24], $0x2000, $0x38;
	[tilespmem:$0x1DC00] =	vst v63  }
0x96: {  	s22 =	sadd.s32 @!p2 s9, s17;
	_ =	swait.ge @!p2 [sflag:s0], $0x2000;
	p2 =	por p2, p2  }
0x97: {  	s21 =	sadd.s32 $0x20000, s25;
	s17 =	smov.u32 s24;
	[sflag:s0] =	ssyncset.done @!p2 $0x0  }
.LBB2_7:
0x98: {  	p3 =	sgt.u32 s28, $0x9B;
	s17 =	sadd.s32 $0x20000, s17  }
0x99: {  	s28 =	smov.u32 s23;
	s23 =	sadd.s32 $0x10, s23;
	s29 =	simm.s32 @!p3 $0x4  }
0x9a: {  	s30 =	sshrl.u32 @!p3 s21, $0x3;
	[sflag:s0] =	ssyncadd.s32 @!p2 $0xFFFFE000;
	p4 =	sne.s32 s23, $0xA0  }
0x9b: {  	[hbm4b:s22+s31] =	stream.linear.scatter @!p2 [tilespmem:s26], [sflag:$0x4], $0x2000, $0x38;
	[tilespmem:$0x1DC00] =	vst v63  }
0x9c: {  	s22 =	sadd.s32 @!p3 s9, s30;
	s31 =	simm.s32 @!p3 $0x0;
	_ =	swait.ge @!p3 [sflag:s29], $0x2000  }
.Ltmp4:
0x9d: {  	[sflag:s29] =	ssyncset.done @!p3 $0x0;
	(pc) =	sbr.rel @p4 .LBB2_7-.Ltmp4, $4  }
0x9e: {  	s0 =	simm.s32 @!p3 $0x5;
	s26 =	simm.s32 @!p3 $0x15C00;
	[sflag:s29] =	ssyncadd.s32 @!p3 $0xFFFFE000  }
0x9f: {  	[tilespmem:s26], [sflag:$0x5] =	stream.linear.gather @!p3 [spmem:s17], $0x2000, $0x38;
	[tilespmem:$0x1DC00] =	vst v63  }
0xa0: {  	p2 =	por p3, p3;
	_ =	swait.ge @!p3 [sflag:s0], $0x2000  }
0xa1: {  	s28 =	sadd.s32 s28, s4;
	s21 =	sadd.s32 $0x20000, s21;
	[sflag:s0] =	ssyncset.done @!p2 $0x0  }
0xa2: {  	p3 =	sgt.u32 s28, $0x9B  }
0xa3: {  	[sflag:s0] =	ssyncadd.s32 @!p2 $0xFFFFE000;
	s23 =	simm.s32 @!p3 $0x4  }
0xa4: {  	[hbm4b:s22+s31] =	stream.linear.scatter @!p2 [tilespmem:s26], [sflag:$0x4], $0x2000, $0x38;
	[tilespmem:$0x1DC00] =	vst v63  }
0xa5: {  	_ =	swait.ge @!p3 [sflag:s23], $0x2000  }
0xa6: {  	s0 =	sadd.s32 $0x20000, s17;
	[sflag:s23] =	ssyncset.done @!p3 $0x0  }
0xa7: {  	s17 =	simm.s32 @!p3 $0x15C00;
	s22 =	simm.s32 @!p3 $0x5;
	[sflag:s23] =	ssyncadd.s32 @!p3 $0xFFFFE000  }
0xa8: {  	[tilespmem:s17], [sflag:$0x5] =	stream.linear.gather @!p3 [spmem:s0], $0x2000, $0x38;
	[tilespmem:$0x1DC00] =	vst v63  }
0xa9: {  	p2 =	por p3, p3;
	_ =	swait.ge @!p3 [sflag:s22], $0x2000  }
0xaa: {  	s0 =	sshrl.u32 @!p3 s21, $0x3;
	[sflag:s22] =	ssyncset.done @!p2 $0x0  }
0xab: {  	s21 =	simm.s32 @!p3 $0x0;
	s0 =	sadd.s32 @!p3 s9, s0;
	[sflag:s22] =	ssyncadd.s32 @!p2 $0xFFFFE000  }
0xac: {  	[hbm4b:s0+s21] =	stream.linear.scatter @!p2 [tilespmem:s17], [sflag:$0x4], $0x2000, $0x38;
	[tilespmem:$0x1DC00] =	vst v63  }
0xad: {  	_ =	swait.ge [sflag:s19], $0x2000  }
0xae: {  	[sflag:s19] =	ssyncset.done $0x0  }
0xaf: {  	s0 =	simm.s32 @!p0 $0x15C00;
	s17 =	rddreg [dreg:$0x7];
	[sflag:s19] =	ssyncadd.s32 $0xFFFFE000  }
0xb0: {  	[tilespmem:s0], [sflag:$0x5] =	stream.linear.gather @!p0 [spmem:s17], $0x800, $0x38;
	[tilespmem:$0x1DC00] =	vst v63  }
0xb1: {  	s17 =	simm.s32 @!p0 $0x5  }
0xb2: {  	_ =	swait.ge @!p0 [sflag:s17], $0x800  }
0xb3: {  	[sflag:s17] =	ssyncset.done @!p0 $0x0  }
0xb4: {  	s21 =	simm.s32 @!p0 $0x0;
	s22 =	rddreg [dreg:$0x8];
	[sflag:s17] =	ssyncadd.s32 @!p0 $0xFFFFF800  }
0xb5: {  	[hbm4b:s22+s21] =	stream.linear.scatter @!p0 [tilespmem:s0], [sflag:$0x5], $0x800, $0x38;
	[tilespmem:$0x1DC00] =	vst v63  }
0xb6: {  	_ =	swait.ge @!p0 [sflag:s17], $0x800  }
0xb7: {  	s20 =	sadd.s32 $0x1, s20;
	s31 =	rddreg [dreg:$0x9]  }
0xb8: {  	p2 =	sne.s32 s20, s31  }
.Ltmp5:
0xb9: {  	_ = 	snop;
	(pc) =	sbr.rel @p2 .LBB2_1-.Ltmp5, $3  }
0xba: {  	_ =	sdelay $0x1  }
0xbb: {  	[sflag:s17] =	ssyncset.done @!p0 $0x0  }
0xbc: {  	[sflag:s17] =	ssyncadd.s32 @!p0 $0xFFFFF800  }
0xbd: {  	_ =	sfence.sel $0x180000  }
0xbe: {  	[bflag:$0x0] =	sbarrier.arrive $0xFFFF  }
0xbf: {  	_ =	strace $0x90000047  }
0xc0: {  	[bflag:$0x2] =	sbarrier.arrive $0xFFFF  }
0xc1: {  	s0 =	rddreg [dreg:$0x3]  }
0xc2: {  	s0 =	sadd.s32 @!p0 $0x100000, s0  }
0xc3: {  	[sflag:s0] =	ssyncadd.tile.s32 @!p0 $0x1;
	_ =	shalt  }
.Lfunc_end2:
_tile_overlayer_lowered:
.L_overlay_start_2:
0xc4: {  	(tag) =	ssettag $0x2  }
0xc5: {  	s0 =	rddreg [dreg:$0x0];
	s2 =	stileid.u32  }
0xc6: {  	s1 =	rddreg [dreg:$0x1];
	p0 =	sne.s32 s2, $0x0  }
0xc7: {  	s3 =	rddreg [dreg:$0x2];
	[bflag:$0x3] =	sbarrier.arrive $0xFFFF;
	s2 =	simm.s32 @!p0 $0x1C05  }
0xc8: {  	[timem:s3], [sflag:s2] =	dma.local @!p0 [hbm:s0], s1  }
0xc9: {  	s0 =	simm.s32 @!p0 $0x5  }
0xca: {  	_ =	swait.ge @!p0 [sflag:s0], s1  }
0xcb: {  	s1 =	ssub.s32 @!p0 $0x0, s1;
	[sflag:s0] =	ssyncset.done @!p0 $0x0  }
0xcc: {  	[sflag:s0] =	ssyncadd.s32 @!p0 s1  }
0xcd: {  	[bflag:$0x3] =	sbarrier.arrive $0xFFFF  }
0xce: {  	_ =	shalt  }

</sc_bundles>
